<compile_context>
chip_gen: v7x
topology: tpu7x:2x2x1
jax: 0.10.2.dev20260603
libtpu: 0.0.44.dev20260713+nightly
codegen_flags: <defaults>
</compile_context>

<pallas_src>
import jax
import jax.numpy as jnp
from jax import lax
from jax.experimental import pallas as pl
from jax.experimental.pallas import tpu as pltpu
from jax.experimental.pallas import tpu_sc as plsc

B = 16
N = 4096
D = 64
TEMPERATURE = 0.05

K_SC = 4
B_TC = B - K_SC

NW = 32
W_PER_ROW = NW // K_SC
POS_PER_W = (K_SC * N) // NW
CH = 256
NCH = POS_PER_W // CH
GROUPS = CH // 16

TCCH = 4096


def _softplus_neg_abs(absl):
    u = jnp.exp(-absl)
    z = u / (u + 2.0)
    z2 = z * z
    p = 1.0 / 7.0 + z2 * (1.0 / 9.0)
    p = 1.0 / 5.0 + z2 * p
    p = 1.0 / 3.0 + z2 * p
    return 2.0 * z * (1.0 + z2 * p)


def _sc_body(len_hbm, o_hbm, s_hbm, w_hbm, r_hbm, part_out,
             o_buf0, o_buf1, s_buf0, s_buf1, w_buf0, w_buf1, r_buf0, r_buf1,
             len_buf, acc_buf, sem0, sem1):
    cid = lax.axis_index("c")
    sid = lax.axis_index("s")
    wid = sid * 2 + cid
    bb = B_TC + wid // W_PER_ROW
    n0 = (wid % W_PER_ROW) * POS_PER_W

    pltpu.sync_copy(len_hbm, len_buf)
    lane = lax.broadcasted_iota(jnp.int32, (16,), 0)
    l_vec = jnp.take_along_axis(len_buf[...], jnp.full((16,), bb, jnp.int32), axis=0)

    obufs = (o_buf0, o_buf1)
    sbufs = (s_buf0, s_buf1)
    wbufs = (w_buf0, w_buf1)
    rbufs = (r_buf0, r_buf1)
    sems = (sem0, sem1)

    def copies(c, ph):
        nst = n0 + c * CH
        return (
            pltpu.make_async_copy(o_hbm.at[bb, :, pl.ds(nst, CH)], obufs[ph], sems[ph]),
            pltpu.make_async_copy(s_hbm.at[bb, :, pl.ds(nst, CH)], sbufs[ph], sems[ph]),
            pltpu.make_async_copy(w_hbm.at[bb, pl.ds(nst, CH)], wbufs[ph], sems[ph]),
            pltpu.make_async_copy(r_hbm.at[bb, pl.ds(nst, CH)], rbufs[ph], sems[ph]),
        )

    def start(c, ph):
        for cp in copies(c, ph):
            cp.start()

    def wait(c, ph):
        for cp in copies(c, ph):
            cp.wait()

    start(0, 0)
    start(1, 1)

    def compute_chunk(c, ph, wl_acc, w_acc):
        ob = obufs[ph]
        sb = sbufs[ph]

        def group_body(g, inner):
            wl_a, wl_c, w_a, w_c = inner
            off = g * 16

            def d_body(j, accs):
                d0 = j * 8
                return tuple(
                    accs[k] + ob[d0 + k, pl.ds(off, 16)] * sb[d0 + k, pl.ds(off, 16)]
                    for k in range(8)
                )

            zero16 = jnp.zeros((16,), jnp.float32)
            accs = lax.fori_loop(0, D // 8, d_body, (zero16,) * 8)
            acc = ((accs[0] + accs[1]) + (accs[2] + accs[3])) + (
                (accs[4] + accs[5]) + (accs[6] + accs[7])
            )
            logits = acc * (1.0 / TEMPERATURE)
            t = rbufs[ph][pl.ds(off, 16)]
            w_raw = wbufs[ph][pl.ds(off, 16)]
            n_vec = n0 + c * CH + off + lane
            w = jnp.where(n_vec < l_vec, w_raw, 0.0)
            bce = jnp.maximum(logits, 0.0) - logits * t + _softplus_neg_abs(jnp.abs(logits))

            y1 = bce * w - wl_c
            t1 = wl_a + y1
            wl_c_new = (t1 - wl_a) - y1
            y2 = w - w_c
            t2 = w_a + y2
            w_c_new = (t2 - w_a) - y2
            return t1, wl_c_new, t2, w_c_new

        return plsc.parallel_loop(
            0, GROUPS, carry=(wl_acc[0], wl_acc[1], w_acc[0], w_acc[1])
        )(group_body)

    def pair_body(i, carry):
        wl, wlc, w, wc = carry
        for ph in range(2):
            c = 2 * i + ph
            wait(c, ph)
            wl, wlc, w, wc = compute_chunk(c, ph, (wl, wlc), (w, wc))

            @pl.when(c + 2 < NCH)
            def _():
                start(c + 2, ph)

        return wl, wlc, w, wc

    zero = jnp.zeros((16,), jnp.float32)
    wl, _, w, _ = lax.fori_loop(0, NCH // 2, pair_body, (zero, zero, zero, zero))

    acc_buf[pl.ds(0, 16)] = wl
    acc_buf[pl.ds(16, 16)] = w
    pltpu.sync_copy(acc_buf, part_out.at[pl.ds(wid * 32, 32)])


def _tc_body(len_ref, o_ref, s_ref, w_ref, r_ref, wl_out, w_out, wl_acc, w_acc):
    b = pl.program_id(0)
    j = pl.program_id(1)

    o = o_ref[0]
    s = s_ref[0]
    logits = jnp.sum(o * s, axis=0) * (1.0 / TEMPERATURE)

    n_idx = j * TCCH + lax.broadcasted_iota(jnp.int32, (TCCH,), 0)
    valid = (n_idx < len_ref[b]).astype(jnp.float32)
    w = w_ref[b] * valid
    t = r_ref[b]
    bce = jnp.maximum(logits, 0.0) - logits * t + jnp.log1p(jnp.exp(-jnp.abs(logits)))

    @pl.when((b == 0) & (j == 0))
    def _init():
        wl_acc[...] = jnp.zeros_like(wl_acc)
        w_acc[...] = jnp.zeros_like(w_acc)

    wl_acc[...] += (bce * w).reshape(wl_acc.shape)
    w_acc[...] += w.reshape(w_acc.shape)

    @pl.when((b == B_TC - 1) & (j == (N // TCCH) - 1))
    def _final():
        wl_out[0, 0] = jnp.sum(wl_acc[...])
        w_out[0, 0] = jnp.sum(w_acc[...])


@jax.jit
def _run(lengths, o_t, s_t, w2, r2):
    mesh = plsc.VectorSubcoreMesh(core_axis_name="c", subcore_axis_name="s")
    sc = pl.kernel(
        _sc_body,
        out_type=jax.ShapeDtypeStruct((NW * 32,), jnp.float32),
        mesh=mesh,
        scratch_types=[
            pltpu.VMEM((D, CH), jnp.float32),
            pltpu.VMEM((D, CH), jnp.float32),
            pltpu.VMEM((D, CH), jnp.float32),
            pltpu.VMEM((D, CH), jnp.float32),
            pltpu.VMEM((CH,), jnp.float32),
            pltpu.VMEM((CH,), jnp.float32),
            pltpu.VMEM((CH,), jnp.float32),
            pltpu.VMEM((CH,), jnp.float32),
            pltpu.VMEM((16,), jnp.int32),
            pltpu.VMEM((32,), jnp.float32),
            pltpu.SemaphoreType.DMA,
            pltpu.SemaphoreType.DMA,
        ],
        compiler_params=pltpu.CompilerParams(needs_layout_passes=False),
    )
    sc_parts = sc(lengths, o_t, s_t, w2, r2).reshape(NW, 2, 16)

    wl_tc, w_tc = pl.pallas_call(
        _tc_body,
        grid=(B_TC, N // TCCH),
        in_specs=[
            pl.BlockSpec(memory_space=pltpu.SMEM),
            pl.BlockSpec((1, D, TCCH), lambda b, j: (b, 0, j)),
            pl.BlockSpec((1, D, TCCH), lambda b, j: (b, 0, j)),
            pl.BlockSpec((B, N), lambda b, j: (0, 0)),
            pl.BlockSpec((B, N), lambda b, j: (0, 0)),
        ],
        out_specs=[
            pl.BlockSpec(memory_space=pltpu.SMEM),
            pl.BlockSpec(memory_space=pltpu.SMEM),
        ],
        out_shape=[
            jax.ShapeDtypeStruct((1, 1), jnp.float32),
            jax.ShapeDtypeStruct((1, 1), jnp.float32),
        ],
        scratch_shapes=[
            pltpu.VMEM((8, TCCH // 8), jnp.float32),
            pltpu.VMEM((8, TCCH // 8), jnp.float32),
        ],
    )(lengths, o_t, s_t, w2, r2)

    num = jnp.sum(sc_parts[:, 0, :]) + wl_tc[0, 0]
    den = jnp.sum(sc_parts[:, 1, :]) + w_tc[0, 0]
    return num / den


def kernel(lengths, output_embeddings, supervision_ids, supervision_embeddings, supervision_weights, supervision_ratings):
    del supervision_ids
    o_t = output_embeddings.transpose(0, 2, 1)
    s_t = supervision_embeddings.transpose(0, 2, 1)
    return _run(lengths, o_t, s_t, supervision_weights, supervision_ratings)

# --- scband reference (transcript-rebuilt; emitter-appended) ---
"""Pipeline reference for scband-bceloss-with-ratings-15109694947788 (READ-ONLY COPY).

The authoritative reference and input builder live on the scoring server;
editing this copy changes nothing except your own understanding.
"""

import jax, jax.numpy as jnp
import numpy as np

B = 16
N = 4096
D = 64
VOCAB = 100000
TEMPERATURE = 0.05


def setup_inputs(seed: int = 0) -> dict:
    key = jax.random.key(seed)
    k1, k2, k3, k4, k5, k6 = jax.random.split(key, 6)
    lengths = jax.random.randint(k1, (B,), 1, N + 1).astype(jnp.int32)
    output_embeddings = jax.random.normal(k2, (B, N, D), dtype=jnp.float32)
    supervision_ids = jax.random.randint(k3, (B, N), 0, VOCAB).astype(jnp.int64)
    supervision_embeddings = jax.random.normal(k4, (B, N, D), dtype=jnp.float32)
    supervision_weights = jax.random.uniform(k5, (B, N), dtype=jnp.float32)
    supervision_ratings = jax.random.uniform(k6, (B, N), dtype=jnp.float32)
    return {
        "lengths": lengths,
        "output_embeddings": output_embeddings,
        "supervision_ids": supervision_ids,
        "supervision_embeddings": supervision_embeddings,
        "supervision_weights": supervision_weights,
        "supervision_ratings": supervision_ratings,
    }


def _bce_with_logits(logits, targets):
    # numerically-stable BCEWithLogits, reduction='none'
    return jnp.maximum(logits, 0.0) - logits * targets + jnp.log1p(jnp.exp(-jnp.abs(logits)))


def reference(lengths, output_embeddings, supervision_ids, supervision_embeddings, supervision_weights, supervision_ratings) -> jnp.ndarray:
    # dense_to_jagged(x, lengths) keeps only the first lengths[b] positions of
    # each row. Since the loss is sum(bce * w) / sum(w), zeroing the weights
    # outside the valid region is mathematically identical to jagged gather.
    valid = (jnp.arange(N)[None, :] < lengths[:, None]).astype(jnp.float32)
    # NDP interaction = dot-product similarity between output and target embeddings
    target_logits = jnp.sum(output_embeddings * supervision_embeddings, axis=-1) / TEMPERATURE
    losses = _bce_with_logits(target_logits, supervision_ratings)
    w = supervision_weights * valid
    weighted_losses = losses * w
    return jnp.sum(weighted_losses) / jnp.sum(w)

if __name__ == "__main__":
    import jax
    _d = setup_inputs()
    print(jax.jit(kernel)(*tuple(_d.values())))

</pallas_src>

<mosaic_0001>
#map = affine_map<(d0, d1) -> (0)>
#map1 = affine_map<(d0, d1) -> (0, 0, 0)>
#map2 = affine_map<(d0, d1) -> (0, 0)>
module attributes {stable_mosaic.version = 14 : i64} {
  func.func @_sc_body(%arg0: i32, %arg1: i32, %arg2: memref<16xi32, #tpu.memory_space<hbm>>, %arg3: memref<16x64x4096xf32, #tpu.memory_space<hbm>>, %arg4: memref<16x64x4096xf32, #tpu.memory_space<hbm>>, %arg5: memref<16x4096xf32, #tpu.memory_space<hbm>>, %arg6: memref<16x4096xf32, #tpu.memory_space<hbm>>, %arg7: memref<1024xf32, #tpu.memory_space<hbm>>, %arg8: memref<64x256xf32, #tpu.memory_space<vmem>>, %arg9: memref<64x256xf32, #tpu.memory_space<vmem>>, %arg10: memref<64x256xf32, #tpu.memory_space<vmem>>, %arg11: memref<64x256xf32, #tpu.memory_space<vmem>>, %arg12: memref<256xf32, #tpu.memory_space<vmem>>, %arg13: memref<256xf32, #tpu.memory_space<vmem>>, %arg14: memref<256xf32, #tpu.memory_space<vmem>>, %arg15: memref<256xf32, #tpu.memory_space<vmem>>, %arg16: memref<16xi32, #tpu.memory_space<vmem>>, %arg17: memref<32xf32, #tpu.memory_space<vmem>>, %arg18: memref<!tpu.dma_semaphore, #tpu.memory_space<semaphore_mem>>, %arg19: memref<!tpu.dma_semaphore, #tpu.memory_space<semaphore_mem>>) attributes {dimension_semantics = [#tpu.dimension_semantics<core_parallel>, #tpu.dimension_semantics<subcore_parallel>], iteration_bounds = array<i64: 2, 16>, scalar_prefetch = 0 : i64, scratch_operands = 12 : i64, tpu.core_type = #tpu.core_type<sc_vector_subcore>, window_params = [{transform_indices = #map}, {transform_indices = #map1}, {transform_indices = #map1}, {transform_indices = #map2}, {transform_indices = #map2}, {transform_indices = #map}]} {
    %mul3A = arith.constant 2 : i32
    %mul3A_0 = arith.muli %arg1, %mul3A : i32
    %add3A = arith.addi %mul3A_0, %arg0 : i32
    %jit3A = arith.constant 8 : i32
    %div3A = arith.divsi %add3A, %jit3A : i32
    %sign3A = arith.constant 0 : i32
    %sign3A_1 = arith.cmpi sgt, %add3A, %sign3A : i32
    %sign3A_2 = arith.extui %sign3A_1 : i1 to i32
    %sign3A_3 = arith.constant 0 : i32
    %sign3A_4 = arith.cmpi slt, %add3A, %sign3A_3 : i32
    %sign3A_5 = arith.extui %sign3A_4 : i1 to i32
    %sign3A_6 = arith.subi %sign3A_2, %sign3A_5 : i32
    %sign3A_7 = arith.constant 0 : i32
    %sign3A_8 = arith.cmpi sgt, %jit3A, %sign3A_7 : i32
    %sign3A_9 = arith.extui %sign3A_8 : i1 to i32
    %sign3A_10 = arith.constant 0 : i32
    %sign3A_11 = arith.cmpi slt, %jit3A, %sign3A_10 : i32
    %sign3A_12 = arith.extui %sign3A_11 : i1 to i32
    %sign3A_13 = arith.subi %sign3A_9, %sign3A_12 : i32
    %ne3A = arith.cmpi ne, %sign3A_6, %sign3A_13 : i32
    %rem3A = arith.remsi %add3A, %jit3A : i32
    %ne3A_14 = arith.constant 0 : i32
    %ne3A_15 = arith.cmpi ne, %rem3A, %ne3A_14 : i32
    %and3A = arith.andi %ne3A, %ne3A_15 : i1
    %sub3A = arith.constant 1 : i32
    %sub3A_16 = arith.subi %div3A, %sub3A : i32
    %select_n3A = arith.select %and3A, %sub3A_16, %div3A : i32
    %add3A_17 = arith.constant 12 : i32
    %add3A_18 = arith.addi %add3A_17, %select_n3A : i32
    %jit3A_19 = arith.constant 8 : i32
    %eq3A = arith.constant 0 : i32
    %eq3A_20 = arith.cmpi eq, %jit3A_19, %eq3A : i32
    %jit3A_21 = arith.constant 1 : i32
    %select_n3A_22 = arith.select %eq3A_20, %jit3A_21, %jit3A_19 : i32
    %rem3A_23 = arith.remsi %add3A, %select_n3A_22 : i32
    %ne3A_24 = arith.constant 0 : i32
    %ne3A_25 = arith.cmpi ne, %rem3A_23, %ne3A_24 : i32
    %lt3A = arith.constant 0 : i32
    %lt3A_26 = arith.cmpi slt, %rem3A_23, %lt3A : i32
    %lt3A_27 = arith.constant 0 : i32
    %lt3A_28 = arith.cmpi slt, %select_n3A_22, %lt3A_27 : i32
    %ne3A_29 = arith.xori %lt3A_26, %lt3A_28 : i1
    %and3A_30 = arith.andi %ne3A_29, %ne3A_25 : i1
    %add3A_31 = arith.addi %rem3A_23, %select_n3A_22 : i32
    %select_n3A_32 = arith.select %and3A_30, %add3A_31, %rem3A_23 : i32
    %mul3A_33 = arith.constant 512 : i32
    %mul3A_34 = arith.muli %select_n3A_32, %mul3A_33 : i32
    "tpu.region"() ({
      %run_scoped3A = tpu.sem_alloc : memref<!tpu.dma_semaphore, #tpu.memory_space<semaphore_mem>>
      tpu.enqueue_dma source(%arg2 : memref<16xi32, #tpu.memory_space<hbm>>) target(%arg16 : memref<16xi32, #tpu.memory_space<vmem>>) target_semaphore(%run_scoped3A : memref<!tpu.dma_semaphore, #tpu.memory_space<semaphore_mem>>)
      tpu.wait_dma2 semaphore(%run_scoped3A : memref<!tpu.dma_semaphore, #tpu.memory_space<semaphore_mem>>) src(%arg2 : memref<16xi32, #tpu.memory_space<hbm>>) dst(%arg16 : memref<16xi32, #tpu.memory_space<vmem>>)
      tpu.yield
    }) : () -> ()
    %iota3A = tpu.iota {dimensions = array<i32: 0>} : vector<16xi32>
    %get3A = arith.constant 0 : index
    %get3A_35 = tpu.vector_load %arg16[%get3A] {strides = array<i32>} : memref<16xi32, #tpu.memory_space<vmem>>, vector<16xi32>,
    %broadcast_in_dim3A = vector.broadcast %add3A_18 : i32 to vector<16xi32>
    %lt3A_36 = arith.constant 0 : i32
    %lt3A_37 = vector.broadcast %lt3A_36 : i32 to vector<16xi32>
    %lt3A_38 = arith.cmpi slt, %broadcast_in_dim3A, %lt3A_37 : vector<16xi32>
    %add3A_39 = arith.constant 16 : i32
    %add3A_40 = vector.broadcast %add3A_39 : i32 to vector<16xi32>
    %add3A_41 = arith.addi %broadcast_in_dim3A, %add3A_40 : vector<16xi32>
    %select_n3A_42 = arith.select %lt3A_38, %add3A_41, %broadcast_in_dim3A : vector<16xi1>, vector<16xi32>
    %reshape3A = vector.shape_cast %select_n3A_42 : vector<16xi32> to vector<16x1xi32>
    %gather3A = vector.shape_cast %reshape3A : vector<16x1xi32> to vector<16xi32>
    %gather3A_43 = tpu.dynamic_gather %get3A_35[%gather3A] in [0] : vector<16xi32>, vector<16xi32> -> vector<16xi32>
    %add3A_44 = arith.constant 0 : i32
    %add3A_45 = arith.addi %mul3A_34, %add3A_44 : i32
    %dma_start3A = arith.constant 0 : i32
    %dma_start3A_46 = tpu.memref_slice %arg3[%add3A_18, %dma_start3A, %add3A_45] : memref<16x64x4096xf32, #tpu.memory_space<hbm>> -> memref<1x64x256xf32, #tpu.memory_space<hbm>>
    %dma_start3A_47 = tpu.memref_squeeze %dma_start3A_46 : memref<1x64x256xf32, #tpu.memory_space<hbm>> -> memref<64x256xf32, #tpu.memory_space<hbm>>
    %dma_start3A_48 = arith.constant 0 : i32
    %dma_start3A_49 = tpu.memref_slice %arg3[%add3A_18, %dma_start3A_48, %add3A_45] : memref<16x64x4096xf32, #tpu.memory_space<hbm>> -> memref<1x64x256xf32, #tpu.memory_space<hbm>>
    %dma_start3A_50 = tpu.memref_squeeze %dma_start3A_49 : memref<1x64x256xf32, #tpu.memory_space<hbm>> -> memref<64x256xf32, #tpu.memory_space<hbm>>
    tpu.enqueue_dma source(%dma_start3A_50 : memref<64x256xf32, #tpu.memory_space<hbm>>) target(%arg8 : memref<64x256xf32, #tpu.memory_space<vmem>>) target_semaphore(%arg18 : memref<!tpu.dma_semaphore, #tpu.memory_space<semaphore_mem>>)
    %dma_start3A_51 = arith.constant 0 : i32
    %dma_start3A_52 = tpu.memref_slice %arg4[%add3A_18, %dma_start3A_51, %add3A_45] : memref<16x64x4096xf32, #tpu.memory_space<hbm>> -> memref<1x64x256xf32, #tpu.memory_space<hbm>>
    %dma_start3A_53 = tpu.memref_squeeze %dma_start3A_52 : memref<1x64x256xf32, #tpu.memory_space<hbm>> -> memref<64x256xf32, #tpu.memory_space<hbm>>
    %dma_start3A_54 = arith.constant 0 : i32
    %dma_start3A_55 = tpu.memref_slice %arg4[%add3A_18, %dma_start3A_54, %add3A_45] : memref<16x64x4096xf32, #tpu.memory_space<hbm>> -> memref<1x64x256xf32, #tpu.memory_space<hbm>>
    %dma_start3A_56 = tpu.memref_squeeze %dma_start3A_55 : memref<1x64x256xf32, #tpu.memory_space<hbm>> -> memref<64x256xf32, #tpu.memory_space<hbm>>
    tpu.enqueue_dma source(%dma_start3A_56 : memref<64x256xf32, #tpu.memory_space<hbm>>) target(%arg10 : memref<64x256xf32, #tpu.memory_space<vmem>>) target_semaphore(%arg18 : memref<!tpu.dma_semaphore, #tpu.memory_space<semaphore_mem>>)
    %dma_start3A_57 = tpu.memref_slice %arg5[%add3A_18, %add3A_45] : memref<16x4096xf32, #tpu.memory_space<hbm>> -> memref<1x256xf32, #tpu.memory_space<hbm>>
    %dma_start3A_58 = tpu.memref_squeeze %dma_start3A_57 : memref<1x256xf32, #tpu.memory_space<hbm>> -> memref<256xf32, #tpu.memory_space<hbm>>
    %dma_start3A_59 = tpu.memref_slice %arg5[%add3A_18, %add3A_45] : memref<16x4096xf32, #tpu.memory_space<hbm>> -> memref<1x256xf32, #tpu.memory_space<hbm>>
    %dma_start3A_60 = tpu.memref_squeeze %dma_start3A_59 : memref<1x256xf32, #tpu.memory_space<hbm>> -> memref<256xf32, #tpu.memory_space<hbm>>
    tpu.enqueue_dma source(%dma_start3A_60 : memref<256xf32, #tpu.memory_space<hbm>>) target(%arg12 : memref<256xf32, #tpu.memory_space<vmem>>) target_semaphore(%arg18 : memref<!tpu.dma_semaphore, #tpu.memory_space<semaphore_mem>>)
    %dma_start3A_61 = tpu.memref_slice %arg6[%add3A_18, %add3A_45] : memref<16x4096xf32, #tpu.memory_space<hbm>> -> memref<1x256xf32, #tpu.memory_space<hbm>>
    %dma_start3A_62 = tpu.memref_squeeze %dma_start3A_61 : memref<1x256xf32, #tpu.memory_space<hbm>> -> memref<256xf32, #tpu.memory_space<hbm>>
    %dma_start3A_63 = tpu.memref_slice %arg6[%add3A_18, %add3A_45] : memref<16x4096xf32, #tpu.memory_space<hbm>> -> memref<1x256xf32, #tpu.memory_space<hbm>>
    %dma_start3A_64 = tpu.memref_squeeze %dma_start3A_63 : memref<1x256xf32, #tpu.memory_space<hbm>> -> memref<256xf32, #tpu.memory_space<hbm>>
    tpu.enqueue_dma source(%dma_start3A_64 : memref<256xf32, #tpu.memory_space<hbm>>) target(%arg14 : memref<256xf32, #tpu.memory_space<vmem>>) target_semaphore(%arg18 : memref<!tpu.dma_semaphore, #tpu.memory_space<semaphore_mem>>)
    %add3A_65 = arith.constant 256 : i32
    %add3A_66 = arith.addi %mul3A_34, %add3A_65 : i32
    %dma_start3A_67 = arith.constant 0 : i32
    %dma_start3A_68 = tpu.memref_slice %arg3[%add3A_18, %dma_start3A_67, %add3A_66] : memref<16x64x4096xf32, #tpu.memory_space<hbm>> -> memref<1x64x256xf32, #tpu.memory_space<hbm>>
    %dma_start3A_69 = tpu.memref_squeeze %dma_start3A_68 : memref<1x64x256xf32, #tpu.memory_space<hbm>> -> memref<64x256xf32, #tpu.memory_space<hbm>>
    %dma_start3A_70 = arith.constant 0 : i32
    %dma_start3A_71 = tpu.memref_slice %arg3[%add3A_18, %dma_start3A_70, %add3A_66] : memref<16x64x4096xf32, #tpu.memory_space<hbm>> -> memref<1x64x256xf32, #tpu.memory_space<hbm>>
    %dma_start3A_72 = tpu.memref_squeeze %dma_start3A_71 : memref<1x64x256xf32, #tpu.memory_space<hbm>> -> memref<64x256xf32, #tpu.memory_space<hbm>>
    tpu.enqueue_dma source(%dma_start3A_72 : memref<64x256xf32, #tpu.memory_space<hbm>>) target(%arg9 : memref<64x256xf32, #tpu.memory_space<vmem>>) target_semaphore(%arg19 : memref<!tpu.dma_semaphore, #tpu.memory_space<semaphore_mem>>)
    %dma_start3A_73 = arith.constant 0 : i32
    %dma_start3A_74 = tpu.memref_slice %arg4[%add3A_18, %dma_start3A_73, %add3A_66] : memref<16x64x4096xf32, #tpu.memory_space<hbm>> -> memref<1x64x256xf32, #tpu.memory_space<hbm>>
    %dma_start3A_75 = tpu.memref_squeeze %dma_start3A_74 : memref<1x64x256xf32, #tpu.memory_space<hbm>> -> memref<64x256xf32, #tpu.memory_space<hbm>>
    %dma_start3A_76 = arith.constant 0 : i32
    %dma_start3A_77 = tpu.memref_slice %arg4[%add3A_18, %dma_start3A_76, %add3A_66] : memref<16x64x4096xf32, #tpu.memory_space<hbm>> -> memref<1x64x256xf32, #tpu.memory_space<hbm>>
    %dma_start3A_78 = tpu.memref_squeeze %dma_start3A_77 : memref<1x64x256xf32, #tpu.memory_space<hbm>> -> memref<64x256xf32, #tpu.memory_space<hbm>>
    tpu.enqueue_dma source(%dma_start3A_78 : memref<64x256xf32, #tpu.memory_space<hbm>>) target(%arg11 : memref<64x256xf32, #tpu.memory_space<vmem>>) target_semaphore(%arg19 : memref<!tpu.dma_semaphore, #tpu.memory_space<semaphore_mem>>)
    %dma_start3A_79 = tpu.memref_slice %arg5[%add3A_18, %add3A_66] : memref<16x4096xf32, #tpu.memory_space<hbm>> -> memref<1x256xf32, #tpu.memory_space<hbm>>
    %dma_start3A_80 = tpu.memref_squeeze %dma_start3A_79 : memref<1x256xf32, #tpu.memory_space<hbm>> -> memref<256xf32, #tpu.memory_space<hbm>>
    %dma_start3A_81 = tpu.memref_slice %arg5[%add3A_18, %add3A_66] : memref<16x4096xf32, #tpu.memory_space<hbm>> -> memref<1x256xf32, #tpu.memory_space<hbm>>
    %dma_start3A_82 = tpu.memref_squeeze %dma_start3A_81 : memref<1x256xf32, #tpu.memory_space<hbm>> -> memref<256xf32, #tpu.memory_space<hbm>>
    tpu.enqueue_dma source(%dma_start3A_82 : memref<256xf32, #tpu.memory_space<hbm>>) target(%arg13 : memref<256xf32, #tpu.memory_space<vmem>>) target_semaphore(%arg19 : memref<!tpu.dma_semaphore, #tpu.memory_space<semaphore_mem>>)
    %dma_start3A_83 = tpu.memref_slice %arg6[%add3A_18, %add3A_66] : memref<16x4096xf32, #tpu.memory_space<hbm>> -> memref<1x256xf32, #tpu.memory_space<hbm>>
    %dma_start3A_84 = tpu.memref_squeeze %dma_start3A_83 : memref<1x256xf32, #tpu.memory_space<hbm>> -> memref<256xf32, #tpu.memory_space<hbm>>
    %dma_start3A_85 = tpu.memref_slice %arg6[%add3A_18, %add3A_66] : memref<16x4096xf32, #tpu.memory_space<hbm>> -> memref<1x256xf32, #tpu.memory_space<hbm>>
    %dma_start3A_86 = tpu.memref_squeeze %dma_start3A_85 : memref<1x256xf32, #tpu.memory_space<hbm>> -> memref<256xf32, #tpu.memory_space<hbm>>
    tpu.enqueue_dma source(%dma_start3A_86 : memref<256xf32, #tpu.memory_space<hbm>>) target(%arg15 : memref<256xf32, #tpu.memory_space<vmem>>) target_semaphore(%arg19 : memref<!tpu.dma_semaphore, #tpu.memory_space<semaphore_mem>>)
    %broadcast_in_dim3A_87 = arith.constant 0.000000e+00 : f32
    %broadcast_in_dim3A_88 = vector.broadcast %broadcast_in_dim3A_87 : f32 to vector<16xf32>
    %scan3A = arith.constant 0 : i32
    %mul3A_89 = arith.constant 2 : i32
    %mul3A_90 = arith.muli %mul3A_89, %scan3A : i32
    %add3A_91 = arith.constant 0 : i32
    %add3A_92 = arith.addi %mul3A_90, %add3A_91 : i32
    %mul3A_93 = arith.constant 256 : i32
    %mul3A_94 = arith.muli %add3A_92, %mul3A_93 : i32
    %add3A_95 = arith.addi %mul3A_34, %mul3A_94 : i32
    %dma_wait3A = arith.constant 0 : i32
    %dma_wait3A_96 = tpu.memref_slice %arg3[%add3A_18, %dma_wait3A, %add3A_95] : memref<16x64x4096xf32, #tpu.memory_space<hbm>> -> memref<1x64x256xf32, #tpu.memory_space<hbm>>
    %dma_wait3A_97 = tpu.memref_squeeze %dma_wait3A_96 : memref<1x64x256xf32, #tpu.memory_space<hbm>> -> memref<64x256xf32, #tpu.memory_space<hbm>>
    %dma_wait3A_98 = arith.constant 0 : i32
    %dma_wait3A_99 = tpu.memref_slice %arg3[%add3A_18, %dma_wait3A_98, %add3A_95] : memref<16x64x4096xf32, #tpu.memory_space<hbm>> -> memref<1x64x256xf32, #tpu.memory_space<hbm>>
    %dma_wait3A_100 = tpu.memref_squeeze %dma_wait3A_99 : memref<1x64x256xf32, #tpu.memory_space<hbm>> -> memref<64x256xf32, #tpu.memory_space<hbm>>
    tpu.wait_dma2 semaphore(%arg18 : memref<!tpu.dma_semaphore, #tpu.memory_space<semaphore_mem>>) src(%dma_wait3A_100 : memref<64x256xf32, #tpu.memory_space<hbm>>) dst(%arg8 : memref<64x256xf32, #tpu.memory_space<vmem>>)
    %dma_wait3A_101 = arith.constant 0 : i32
    %dma_wait3A_102 = tpu.memref_slice %arg4[%add3A_18, %dma_wait3A_101, %add3A_95] : memref<16x64x4096xf32, #tpu.memory_space<hbm>> -> memref<1x64x256xf32, #tpu.memory_space<hbm>>
    %dma_wait3A_103 = tpu.memref_squeeze %dma_wait3A_102 : memref<1x64x256xf32, #tpu.memory_space<hbm>> -> memref<64x256xf32, #tpu.memory_space<hbm>>
    %dma_wait3A_104 = arith.constant 0 : i32
    %dma_wait3A_105 = tpu.memref_slice %arg4[%add3A_18, %dma_wait3A_104, %add3A_95] : memref<16x64x4096xf32, #tpu.memory_space<hbm>> -> memref<1x64x256xf32, #tpu.memory_space<hbm>>
    %dma_wait3A_106 = tpu.memref_squeeze %dma_wait3A_105 : memref<1x64x256xf32, #tpu.memory_space<hbm>> -> memref<64x256xf32, #tpu.memory_space<hbm>>
    tpu.wait_dma2 semaphore(%arg18 : memref<!tpu.dma_semaphore, #tpu.memory_space<semaphore_mem>>) src(%dma_wait3A_106 : memref<64x256xf32, #tpu.memory_space<hbm>>) dst(%arg10 : memref<64x256xf32, #tpu.memory_space<vmem>>)
    %dma_wait3A_107 = tpu.memref_slice %arg5[%add3A_18, %add3A_95] : memref<16x4096xf32, #tpu.memory_space<hbm>> -> memref<1x256xf32, #tpu.memory_space<hbm>>
    %dma_wait3A_108 = tpu.memref_squeeze %dma_wait3A_107 : memref<1x256xf32, #tpu.memory_space<hbm>> -> memref<256xf32, #tpu.memory_space<hbm>>
    %dma_wait3A_109 = tpu.memref_slice %arg5[%add3A_18, %add3A_95] : memref<16x4096xf32, #tpu.memory_space<hbm>> -> memref<1x256xf32, #tpu.memory_space<hbm>>
    %dma_wait3A_110 = tpu.memref_squeeze %dma_wait3A_109 : memref<1x256xf32, #tpu.memory_space<hbm>> -> memref<256xf32, #tpu.memory_space<hbm>>
    tpu.wait_dma2 semaphore(%arg18 : memref<!tpu.dma_semaphore, #tpu.memory_space<semaphore_mem>>) src(%dma_wait3A_110 : memref<256xf32, #tpu.memory_space<hbm>>) dst(%arg12 : memref<256xf32, #tpu.memory_space<vmem>>)
    %dma_wait3A_111 = tpu.memref_slice %arg6[%add3A_18, %add3A_95] : memref<16x4096xf32, #tpu.memory_space<hbm>> -> memref<1x256xf32, #tpu.memory_space<hbm>>
    %dma_wait3A_112 = tpu.memref_squeeze %dma_wait3A_111 : memref<1x256xf32, #tpu.memory_space<hbm>> -> memref<256xf32, #tpu.memory_space<hbm>>
    %dma_wait3A_113 = tpu.memref_slice %arg6[%add3A_18, %add3A_95] : memref<16x4096xf32, #tpu.memory_space<hbm>> -> memref<1x256xf32, #tpu.memory_space<hbm>>
    %dma_wait3A_114 = tpu.memref_squeeze %dma_wait3A_113 : memref<1x256xf32, #tpu.memory_space<hbm>> -> memref<256xf32, #tpu.memory_space<hbm>>
    tpu.wait_dma2 semaphore(%arg18 : memref<!tpu.dma_semaphore, #tpu.memory_space<semaphore_mem>>) src(%dma_wait3A_114 : memref<256xf32, #tpu.memory_space<hbm>>) dst(%arg14 : memref<256xf32, #tpu.memory_space<vmem>>)
    %parallel_loop3A = arith.constant 0 : i32
    %parallel_loop3A_115 = arith.constant 16 : i32
    %parallel_loop3A_116 = arith.constant 1 : i32
    %parallel_loop3A_117:4 = scf.for %parallel_loop3A_167 = %parallel_loop3A to %parallel_loop3A_115 step %parallel_loop3A_116 iter_args(%parallel_loop3A_168 = %broadcast_in_dim3A_88, %parallel_loop3A_169 = %broadcast_in_dim3A_88, %parallel_loop3A_170 = %broadcast_in_dim3A_88, %parallel_loop3A_171 = %broadcast_in_dim3A_88) -> (vector<16xf32>, vector<16xf32>, vector<16xf32>, vector<16xf32>)  : i32 {
      %parallel_loop3A_172 = arith.constant 16 : i32
      %parallel_loop3A_173 = arith.muli %parallel_loop3A_167, %parallel_loop3A_172 : i32
      %parallel_loop3A_174 = arith.constant 0.000000e+00 : f32
      %parallel_loop3A_175 = vector.broadcast %parallel_loop3A_174 : f32 to vector<16xf32>
      %parallel_loop3A_176 = arith.constant 0 : i32
      %parallel_loop3A_177 = arith.constant 8 : i32
      %parallel_loop3A_178 = arith.addi %parallel_loop3A_176, %parallel_loop3A_177 : i32
      %parallel_loop3A_179 = arith.constant 1 : i32
      %parallel_loop3A_180:8 = scf.for %scan3A_253 = %parallel_loop3A_176 to %parallel_loop3A_178 step %parallel_loop3A_179 iter_args(%scan3A_254 = %parallel_loop3A_175, %scan3A_255 = %parallel_loop3A_175, %scan3A_256 = %parallel_loop3A_175, %scan3A_257 = %parallel_loop3A_175, %scan3A_258 = %parallel_loop3A_175, %scan3A_259 = %parallel_loop3A_175, %scan3A_260 = %parallel_loop3A_175, %scan3A_261 = %parallel_loop3A_175) -> (vector<16xf32>, vector<16xf32>, vector<16xf32>, vector<16xf32>, vector<16xf32>, vector<16xf32>, vector<16xf32>, vector<16xf32>)  : i32 {
        %parallel_loop3A_262 = arith.constant 8 : i32
        %parallel_loop3A_263 = arith.muli %scan3A_253, %parallel_loop3A_262 : i32
        %parallel_loop3A_264 = arith.constant 0 : i32
        %parallel_loop3A_265 = arith.addi %parallel_loop3A_263, %parallel_loop3A_264 : i32
        %parallel_loop3A_266 = arith.index_cast %parallel_loop3A_265 : i32 to index
        %parallel_loop3A_267 = arith.index_cast %parallel_loop3A_173 : i32 to index
        %parallel_loop3A_268 = tpu.vector_load %arg8[%parallel_loop3A_266, %parallel_loop3A_267] {strides = array<i32>} : memref<64x256xf32, #tpu.memory_space<vmem>>, vector<16xf32>,
        %parallel_loop3A_269 = arith.constant 0 : i32
        %parallel_loop3A_270 = arith.addi %parallel_loop3A_263, %parallel_loop3A_269 : i32
        %parallel_loop3A_271 = arith.index_cast %parallel_loop3A_270 : i32 to index
        %parallel_loop3A_272 = arith.index_cast %parallel_loop3A_173 : i32 to index
        %parallel_loop3A_273 = tpu.vector_load %arg10[%parallel_loop3A_271, %parallel_loop3A_272] {strides = array<i32>} : memref<64x256xf32, #tpu.memory_space<vmem>>, vector<16xf32>,
        %parallel_loop3A_274 = arith.mulf %parallel_loop3A_268, %parallel_loop3A_273 : vector<16xf32>
        %parallel_loop3A_275 = arith.addf %scan3A_254, %parallel_loop3A_274 : vector<16xf32>
        %parallel_loop3A_276 = arith.constant 1 : i32
        %parallel_loop3A_277 = arith.addi %parallel_loop3A_263, %parallel_loop3A_276 : i32
        %parallel_loop3A_278 = arith.index_cast %parallel_loop3A_277 : i32 to index
        %parallel_loop3A_279 = arith.index_cast %parallel_loop3A_173 : i32 to index
        %parallel_loop3A_280 = tpu.vector_load %arg8[%parallel_loop3A_278, %parallel_loop3A_279] {strides = array<i32>} : memref<64x256xf32, #tpu.memory_space<vmem>>, vector<16xf32>,
        %parallel_loop3A_281 = arith.constant 1 : i32
        %parallel_loop3A_282 = arith.addi %parallel_loop3A_263, %parallel_loop3A_281 : i32
        %parallel_loop3A_283 = arith.index_cast %parallel_loop3A_282 : i32 to index
        %parallel_loop3A_284 = arith.index_cast %parallel_loop3A_173 : i32 to index
        %parallel_loop3A_285 = tpu.vector_load %arg10[%parallel_loop3A_283, %parallel_loop3A_284] {strides = array<i32>} : memref<64x256xf32, #tpu.memory_space<vmem>>, vector<16xf32>,
        %parallel_loop3A_286 = arith.mulf %parallel_loop3A_280, %parallel_loop3A_285 : vector<16xf32>
        %parallel_loop3A_287 = arith.addf %scan3A_255, %parallel_loop3A_286 : vector<16xf32>
        %parallel_loop3A_288 = arith.constant 2 : i32
        %parallel_loop3A_289 = arith.addi %parallel_loop3A_263, %parallel_loop3A_288 : i32
        %parallel_loop3A_290 = arith.index_cast %parallel_loop3A_289 : i32 to index
        %parallel_loop3A_291 = arith.index_cast %parallel_loop3A_173 : i32 to index
        %parallel_loop3A_292 = tpu.vector_load %arg8[%parallel_loop3A_290, %parallel_loop3A_291] {strides = array<i32>} : memref<64x256xf32, #tpu.memory_space<vmem>>, vector<16xf32>,
        %parallel_loop3A_293 = arith.constant 2 : i32
        %parallel_loop3A_294 = arith.addi %parallel_loop3A_263, %parallel_loop3A_293 : i32
        %parallel_loop3A_295 = arith.index_cast %parallel_loop3A_294 : i32 to index
        %parallel_loop3A_296 = arith.index_cast %parallel_loop3A_173 : i32 to index
        %parallel_loop3A_297 = tpu.vector_load %arg10[%parallel_loop3A_295, %parallel_loop3A_296] {strides = array<i32>} : memref<64x256xf32, #tpu.memory_space<vmem>>, vector<16xf32>,
        %parallel_loop3A_298 = arith.mulf %parallel_loop3A_292, %parallel_loop3A_297 : vector<16xf32>
        %parallel_loop3A_299 = arith.addf %scan3A_256, %parallel_loop3A_298 : vector<16xf32>
        %parallel_loop3A_300 = arith.constant 3 : i32
        %parallel_loop3A_301 = arith.addi %parallel_loop3A_263, %parallel_loop3A_300 : i32
        %parallel_loop3A_302 = arith.index_cast %parallel_loop3A_301 : i32 to index
        %parallel_loop3A_303 = arith.index_cast %parallel_loop3A_173 : i32 to index
        %parallel_loop3A_304 = tpu.vector_load %arg8[%parallel_loop3A_302, %parallel_loop3A_303] {strides = array<i32>} : memref<64x256xf32, #tpu.memory_space<vmem>>, vector<16xf32>,
        %parallel_loop3A_305 = arith.constant 3 : i32
        %parallel_loop3A_306 = arith.addi %parallel_loop3A_263, %parallel_loop3A_305 : i32
        %parallel_loop3A_307 = arith.index_cast %parallel_loop3A_306 : i32 to index
        %parallel_loop3A_308 = arith.index_cast %parallel_loop3A_173 : i32 to index
        %parallel_loop3A_309 = tpu.vector_load %arg10[%parallel_loop3A_307, %parallel_loop3A_308] {strides = array<i32>} : memref<64x256xf32, #tpu.memory_space<vmem>>, vector<16xf32>,
        %parallel_loop3A_310 = arith.mulf %parallel_loop3A_304, %parallel_loop3A_309 : vector<16xf32>
        %parallel_loop3A_311 = arith.addf %scan3A_257, %parallel_loop3A_310 : vector<16xf32>
        %parallel_loop3A_312 = arith.constant 4 : i32
        %parallel_loop3A_313 = arith.addi %parallel_loop3A_263, %parallel_loop3A_312 : i32
        %parallel_loop3A_314 = arith.index_cast %parallel_loop3A_313 : i32 to index
        %parallel_loop3A_315 = arith.index_cast %parallel_loop3A_173 : i32 to index
        %parallel_loop3A_316 = tpu.vector_load %arg8[%parallel_loop3A_314, %parallel_loop3A_315] {strides = array<i32>} : memref<64x256xf32, #tpu.memory_space<vmem>>, vector<16xf32>,
        %parallel_loop3A_317 = arith.constant 4 : i32
        %parallel_loop3A_318 = arith.addi %parallel_loop3A_263, %parallel_loop3A_317 : i32
        %parallel_loop3A_319 = arith.index_cast %parallel_loop3A_318 : i32 to index
        %parallel_loop3A_320 = arith.index_cast %parallel_loop3A_173 : i32 to index
        %parallel_loop3A_321 = tpu.vector_load %arg10[%parallel_loop3A_319, %parallel_loop3A_320] {strides = array<i32>} : memref<64x256xf32, #tpu.memory_space<vmem>>, vector<16xf32>,
        %parallel_loop3A_322 = arith.mulf %parallel_loop3A_316, %parallel_loop3A_321 : vector<16xf32>
        %parallel_loop3A_323 = arith.addf %scan3A_258, %parallel_loop3A_322 : vector<16xf32>
        %parallel_loop3A_324 = arith.constant 5 : i32
        %parallel_loop3A_325 = arith.addi %parallel_loop3A_263, %parallel_loop3A_324 : i32
        %parallel_loop3A_326 = arith.index_cast %parallel_loop3A_325 : i32 to index
        %parallel_loop3A_327 = arith.index_cast %parallel_loop3A_173 : i32 to index
        %parallel_loop3A_328 = tpu.vector_load %arg8[%parallel_loop3A_326, %parallel_loop3A_327] {strides = array<i32>} : memref<64x256xf32, #tpu.memory_space<vmem>>, vector<16xf32>,
        %parallel_loop3A_329 = arith.constant 5 : i32
        %parallel_loop3A_330 = arith.addi %parallel_loop3A_263, %parallel_loop3A_329 : i32
        %parallel_loop3A_331 = arith.index_cast %parallel_loop3A_330 : i32 to index
        %parallel_loop3A_332 = arith.index_cast %parallel_loop3A_173 : i32 to index
        %parallel_loop3A_333 = tpu.vector_load %arg10[%parallel_loop3A_331, %parallel_loop3A_332] {strides = array<i32>} : memref<64x256xf32, #tpu.memory_space<vmem>>, vector<16xf32>,
        %parallel_loop3A_334 = arith.mulf %parallel_loop3A_328, %parallel_loop3A_333 : vector<16xf32>
        %parallel_loop3A_335 = arith.addf %scan3A_259, %parallel_loop3A_334 : vector<16xf32>
        %parallel_loop3A_336 = arith.constant 6 : i32
        %parallel_loop3A_337 = arith.addi %parallel_loop3A_263, %parallel_loop3A_336 : i32
        %parallel_loop3A_338 = arith.index_cast %parallel_loop3A_337 : i32 to index
        %parallel_loop3A_339 = arith.index_cast %parallel_loop3A_173 : i32 to index
        %parallel_loop3A_340 = tpu.vector_load %arg8[%parallel_loop3A_338, %parallel_loop3A_339] {strides = array<i32>} : memref<64x256xf32, #tpu.memory_space<vmem>>, vector<16xf32>,
        %parallel_loop3A_341 = arith.constant 6 : i32
        %parallel_loop3A_342 = arith.addi %parallel_loop3A_263, %parallel_loop3A_341 : i32
        %parallel_loop3A_343 = arith.index_cast %parallel_loop3A_342 : i32 to index
        %parallel_loop3A_344 = arith.index_cast %parallel_loop3A_173 : i32 to index
        %parallel_loop3A_345 = tpu.vector_load %arg10[%parallel_loop3A_343, %parallel_loop3A_344] {strides = array<i32>} : memref<64x256xf32, #tpu.memory_space<vmem>>, vector<16xf32>,
        %parallel_loop3A_346 = arith.mulf %parallel_loop3A_340, %parallel_loop3A_345 : vector<16xf32>
        %parallel_loop3A_347 = arith.addf %scan3A_260, %parallel_loop3A_346 : vector<16xf32>
        %parallel_loop3A_348 = arith.constant 7 : i32
        %parallel_loop3A_349 = arith.addi %parallel_loop3A_263, %parallel_loop3A_348 : i32
        %parallel_loop3A_350 = arith.index_cast %parallel_loop3A_349 : i32 to index
        %parallel_loop3A_351 = arith.index_cast %parallel_loop3A_173 : i32 to index
        %parallel_loop3A_352 = tpu.vector_load %arg8[%parallel_loop3A_350, %parallel_loop3A_351] {strides = array<i32>} : memref<64x256xf32, #tpu.memory_space<vmem>>, vector<16xf32>,
        %parallel_loop3A_353 = arith.constant 7 : i32
        %parallel_loop3A_354 = arith.addi %parallel_loop3A_263, %parallel_loop3A_353 : i32
        %parallel_loop3A_355 = arith.index_cast %parallel_loop3A_354 : i32 to index
        %parallel_loop3A_356 = arith.index_cast %parallel_loop3A_173 : i32 to index
        %parallel_loop3A_357 = tpu.vector_load %arg10[%parallel_loop3A_355, %parallel_loop3A_356] {strides = array<i32>} : memref<64x256xf32, #tpu.memory_space<vmem>>, vector<16xf32>,
        %parallel_loop3A_358 = arith.mulf %parallel_loop3A_352, %parallel_loop3A_357 : vector<16xf32>
        %parallel_loop3A_359 = arith.addf %scan3A_261, %parallel_loop3A_358 : vector<16xf32>
        scf.yield %parallel_loop3A_275, %parallel_loop3A_287, %parallel_loop3A_299, %parallel_loop3A_311, %parallel_loop3A_323, %parallel_loop3A_335, %parallel_loop3A_347, %parallel_loop3A_359 : vector<16xf32>, vector<16xf32>, vector<16xf32>, vector<16xf32>, vector<16xf32>, vector<16xf32>, vector<16xf32>, vector<16xf32>
      }
      %parallel_loop3A_181 = arith.constant 8 : i32
      %parallel_loop3A_182 = arith.addf %parallel_loop3A_180#0, %parallel_loop3A_180#1 : vector<16xf32>
      %parallel_loop3A_183 = arith.addf %parallel_loop3A_180#2, %parallel_loop3A_180#3 : vector<16xf32>
      %parallel_loop3A_184 = arith.addf %parallel_loop3A_182, %parallel_loop3A_183 : vector<16xf32>
      %parallel_loop3A_185 = arith.addf %parallel_loop3A_180#4, %parallel_loop3A_180#5 : vector<16xf32>
      %parallel_loop3A_186 = arith.addf %parallel_loop3A_180#6, %parallel_loop3A_180#7 : vector<16xf32>
      %parallel_loop3A_187 = arith.addf %parallel_loop3A_185, %parallel_loop3A_186 : vector<16xf32>
      %parallel_loop3A_188 = arith.addf %parallel_loop3A_184, %parallel_loop3A_187 : vector<16xf32>
      %parallel_loop3A_189 = arith.constant 2.000000e+01 : f32
      %parallel_loop3A_190 = vector.broadcast %parallel_loop3A_189 : f32 to vector<16xf32>
      %parallel_loop3A_191 = arith.mulf %parallel_loop3A_188, %parallel_loop3A_190 : vector<16xf32>
      %parallel_loop3A_192 = arith.index_cast %parallel_loop3A_173 : i32 to index
      %parallel_loop3A_193 = tpu.vector_load %arg14[%parallel_loop3A_192] {strides = array<i32>} : memref<256xf32, #tpu.memory_space<vmem>>, vector<16xf32>,
      %parallel_loop3A_194 = arith.index_cast %parallel_loop3A_173 : i32 to index
      %parallel_loop3A_195 = tpu.vector_load %arg12[%parallel_loop3A_194] {strides = array<i32>} : memref<256xf32, #tpu.memory_space<vmem>>, vector<16xf32>,
      %parallel_loop3A_196 = arith.constant 256 : i32
      %parallel_loop3A_197 = arith.muli %add3A_92, %parallel_loop3A_196 : i32
      %parallel_loop3A_198 = arith.addi %mul3A_34, %parallel_loop3A_197 : i32
      %parallel_loop3A_199 = arith.addi %parallel_loop3A_198, %parallel_loop3A_173 : i32
      %parallel_loop3A_200 = vector.broadcast %parallel_loop3A_199 : i32 to vector<16xi32>
      %parallel_loop3A_201 = arith.addi %parallel_loop3A_200, %iota3A : vector<16xi32>
      %parallel_loop3A_202 = arith.cmpi slt, %parallel_loop3A_201, %gather3A_43 : vector<16xi32>
      %parallel_loop3A_203 = arith.constant 0.000000e+00 : f32
      %parallel_loop3A_204 = vector.broadcast %parallel_loop3A_203 : f32 to vector<16xf32>
      %parallel_loop3A_205 = arith.select %parallel_loop3A_202, %parallel_loop3A_195, %parallel_loop3A_204 : vector<16xi1>, vector<16xf32>
      %parallel_loop3A_206 = arith.constant 0.000000e+00 : f32
      %parallel_loop3A_207 = vector.broadcast %parallel_loop3A_206 : f32 to vector<16xf32>
      %parallel_loop3A_208 = arith.maximumf %parallel_loop3A_191, %parallel_loop3A_207 : vector<16xf32>
      %parallel_loop3A_209 = arith.mulf %parallel_loop3A_191, %parallel_loop3A_193 : vector<16xf32>
      %parallel_loop3A_210 = arith.subf %parallel_loop3A_208, %parallel_loop3A_209 : vector<16xf32>
      %parallel_loop3A_211 = math.absf %parallel_loop3A_191 : vector<16xf32>
      %parallel_loop3A_212 = arith.constant 0.000000e+00 : f32
      %parallel_loop3A_213 = vector.broadcast %parallel_loop3A_212 : f32 to vector<16xf32>
      %parallel_loop3A_214 = arith.subf %parallel_loop3A_213, %parallel_loop3A_211 : vector<16xf32>
      %parallel_loop3A_215 = math.exp %parallel_loop3A_214 : vector<16xf32>
      %parallel_loop3A_216 = arith.constant 2.000000e+00 : f32
      %parallel_loop3A_217 = vector.broadcast %parallel_loop3A_216 : f32 to vector<16xf32>
      %parallel_loop3A_218 = arith.addf %parallel_loop3A_215, %parallel_loop3A_217 : vector<16xf32>
      %parallel_loop3A_219 = arith.divf %parallel_loop3A_215, %parallel_loop3A_218 : vector<16xf32>
      %parallel_loop3A_220 = arith.mulf %parallel_loop3A_219, %parallel_loop3A_219 : vector<16xf32>
      %parallel_loop3A_221 = arith.constant 0.111111112 : f32
      %parallel_loop3A_222 = vector.broadcast %parallel_loop3A_221 : f32 to vector<16xf32>
      %parallel_loop3A_223 = arith.mulf %parallel_loop3A_220, %parallel_loop3A_222 : vector<16xf32>
      %parallel_loop3A_224 = arith.constant 0.142857149 : f32
      %parallel_loop3A_225 = vector.broadcast %parallel_loop3A_224 : f32 to vector<16xf32>
      %parallel_loop3A_226 = arith.addf %parallel_loop3A_225, %parallel_loop3A_223 : vector<16xf32>
      %parallel_loop3A_227 = arith.mulf %parallel_loop3A_220, %parallel_loop3A_226 : vector<16xf32>
      %parallel_loop3A_228 = arith.constant 2.000000e-01 : f32
      %parallel_loop3A_229 = vector.broadcast %parallel_loop3A_228 : f32 to vector<16xf32>
      %parallel_loop3A_230 = arith.addf %parallel_loop3A_229, %parallel_loop3A_227 : vector<16xf32>
      %parallel_loop3A_231 = arith.mulf %parallel_loop3A_220, %parallel_loop3A_230 : vector<16xf32>
      %parallel_loop3A_232 = arith.constant 0.333333343 : f32
      %parallel_loop3A_233 = vector.broadcast %parallel_loop3A_232 : f32 to vector<16xf32>
      %parallel_loop3A_234 = arith.addf %parallel_loop3A_233, %parallel_loop3A_231 : vector<16xf32>
      %parallel_loop3A_235 = arith.constant 2.000000e+00 : f32
      %parallel_loop3A_236 = vector.broadcast %parallel_loop3A_235 : f32 to vector<16xf32>
      %parallel_loop3A_237 = arith.mulf %parallel_loop3A_236, %parallel_loop3A_219 : vector<16xf32>
      %parallel_loop3A_238 = arith.mulf %parallel_loop3A_220, %parallel_loop3A_234 : vector<16xf32>
      %parallel_loop3A_239 = arith.constant 1.000000e+00 : f32
      %parallel_loop3A_240 = vector.broadcast %parallel_loop3A_239 : f32 to vector<16xf32>
      %parallel_loop3A_241 = arith.addf %parallel_loop3A_240, %parallel_loop3A_238 : vector<16xf32>
      %parallel_loop3A_242 = arith.mulf %parallel_loop3A_237, %parallel_loop3A_241 : vector<16xf32>
      %parallel_loop3A_243 = arith.addf %parallel_loop3A_210, %parallel_loop3A_242 : vector<16xf32>
      %parallel_loop3A_244 = arith.mulf %parallel_loop3A_243, %parallel_loop3A_205 : vector<16xf32>
      %parallel_loop3A_245 = arith.subf %parallel_loop3A_244, %parallel_loop3A_169 : vector<16xf32>
      %parallel_loop3A_246 = arith.addf %parallel_loop3A_168, %parallel_loop3A_245 : vector<16xf32>
      %parallel_loop3A_247 = arith.subf %parallel_loop3A_246, %parallel_loop3A_168 : vector<16xf32>
      %parallel_loop3A_248 = arith.subf %parallel_loop3A_247, %parallel_loop3A_245 : vector<16xf32>
      %parallel_loop3A_249 = arith.subf %parallel_loop3A_205, %parallel_loop3A_171 : vector<16xf32>
      %parallel_loop3A_250 = arith.addf %parallel_loop3A_170, %parallel_loop3A_249 : vector<16xf32>
      %parallel_loop3A_251 = arith.subf %parallel_loop3A_250, %parallel_loop3A_170 : vector<16xf32>
      %parallel_loop3A_252 = arith.subf %parallel_loop3A_251, %parallel_loop3A_249 : vector<16xf32>
      scf.yield %parallel_loop3A_246, %parallel_loop3A_248, %parallel_loop3A_250, %parallel_loop3A_252 : vector<16xf32>, vector<16xf32>, vector<16xf32>, vector<16xf32>
    } {sc.loop_unroll_factor = 1 : i64, sc.parallel_access}
    %add3A_118 = arith.constant 2 : i32
    %add3A_119 = arith.addi %add3A_92, %add3A_118 : i32
    %lt3A_120 = arith.constant 2 : i32
    %lt3A_121 = arith.cmpi slt, %add3A_119, %lt3A_120 : i32
    %convert_element_type3A = arith.extui %lt3A_121 : i1 to i32
    %cond3A = arith.constant 0 : i32
    %cond3A_122 = arith.cmpi ne, %convert_element_type3A, %cond3A : i32
    scf.if %cond3A_122 {
      %add3A_167 = arith.constant 2 : i32
      %add3A_168 = arith.addi %add3A_92, %add3A_167 : i32
      %mul3A_169 = arith.constant 256 : i32
      %mul3A_170 = arith.muli %add3A_168, %mul3A_169 : i32
      %add3A_171 = arith.addi %mul3A_34, %mul3A_170 : i32
      %dma_start3A_172 = arith.constant 0 : i32
      %dma_start3A_173 = tpu.memref_slice %arg3[%add3A_18, %dma_start3A_172, %add3A_171] : memref<16x64x4096xf32, #tpu.memory_space<hbm>> -> memref<1x64x256xf32, #tpu.memory_space<hbm>>
      %dma_start3A_174 = tpu.memref_squeeze %dma_start3A_173 : memref<1x64x256xf32, #tpu.memory_space<hbm>> -> memref<64x256xf32, #tpu.memory_space<hbm>>
      %dma_start3A_175 = arith.constant 0 : i32
      %dma_start3A_176 = tpu.memref_slice %arg3[%add3A_18, %dma_start3A_175, %add3A_171] : memref<16x64x4096xf32, #tpu.memory_space<hbm>> -> memref<1x64x256xf32, #tpu.memory_space<hbm>>
      %dma_start3A_177 = tpu.memref_squeeze %dma_start3A_176 : memref<1x64x256xf32, #tpu.memory_space<hbm>> -> memref<64x256xf32, #tpu.memory_space<hbm>>
      tpu.enqueue_dma source(%dma_start3A_177 : memref<64x256xf32, #tpu.memory_space<hbm>>) target(%arg8 : memref<64x256xf32, #tpu.memory_space<vmem>>) target_semaphore(%arg18 : memref<!tpu.dma_semaphore, #tpu.memory_space<semaphore_mem>>)
      %dma_start3A_178 = arith.constant 0 : i32
      %dma_start3A_179 = tpu.memref_slice %arg4[%add3A_18, %dma_start3A_178, %add3A_171] : memref<16x64x4096xf32, #tpu.memory_space<hbm>> -> memref<1x64x256xf32, #tpu.memory_space<hbm>>
      %dma_start3A_180 = tpu.memref_squeeze %dma_start3A_179 : memref<1x64x256xf32, #tpu.memory_space<hbm>> -> memref<64x256xf32, #tpu.memory_space<hbm>>
      %dma_start3A_181 = arith.constant 0 : i32
      %dma_start3A_182 = tpu.memref_slice %arg4[%add3A_18, %dma_start3A_181, %add3A_171] : memref<16x64x4096xf32, #tpu.memory_space<hbm>> -> memref<1x64x256xf32, #tpu.memory_space<hbm>>
      %dma_start3A_183 = tpu.memref_squeeze %dma_start3A_182 : memref<1x64x256xf32, #tpu.memory_space<hbm>> -> memref<64x256xf32, #tpu.memory_space<hbm>>
      tpu.enqueue_dma source(%dma_start3A_183 : memref<64x256xf32, #tpu.memory_space<hbm>>) target(%arg10 : memref<64x256xf32, #tpu.memory_space<vmem>>) target_semaphore(%arg18 : memref<!tpu.dma_semaphore, #tpu.memory_space<semaphore_mem>>)
      %dma_start3A_184 = tpu.memref_slice %arg5[%add3A_18, %add3A_171] : memref<16x4096xf32, #tpu.memory_space<hbm>> -> memref<1x256xf32, #tpu.memory_space<hbm>>
      %dma_start3A_185 = tpu.memref_squeeze %dma_start3A_184 : memref<1x256xf32, #tpu.memory_space<hbm>> -> memref<256xf32, #tpu.memory_space<hbm>>
      %dma_start3A_186 = tpu.memref_slice %arg5[%add3A_18, %add3A_171] : memref<16x4096xf32, #tpu.memory_space<hbm>> -> memref<1x256xf32, #tpu.memory_space<hbm>>
      %dma_start3A_187 = tpu.memref_squeeze %dma_start3A_186 : memref<1x256xf32, #tpu.memory_space<hbm>> -> memref<256xf32, #tpu.memory_space<hbm>>
      tpu.enqueue_dma source(%dma_start3A_187 : memref<256xf32, #tpu.memory_space<hbm>>) target(%arg12 : memref<256xf32, #tpu.memory_space<vmem>>) target_semaphore(%arg18 : memref<!tpu.dma_semaphore, #tpu.memory_space<semaphore_mem>>)
      %dma_start3A_188 = tpu.memref_slice %arg6[%add3A_18, %add3A_171] : memref<16x4096xf32, #tpu.memory_space<hbm>> -> memref<1x256xf32, #tpu.memory_space<hbm>>
      %dma_start3A_189 = tpu.memref_squeeze %dma_start3A_188 : memref<1x256xf32, #tpu.memory_space<hbm>> -> memref<256xf32, #tpu.memory_space<hbm>>
      %dma_start3A_190 = tpu.memref_slice %arg6[%add3A_18, %add3A_171] : memref<16x4096xf32, #tpu.memory_space<hbm>> -> memref<1x256xf32, #tpu.memory_space<hbm>>
      %dma_start3A_191 = tpu.memref_squeeze %dma_start3A_190 : memref<1x256xf32, #tpu.memory_space<hbm>> -> memref<256xf32, #tpu.memory_space<hbm>>
      tpu.enqueue_dma source(%dma_start3A_191 : memref<256xf32, #tpu.memory_space<hbm>>) target(%arg14 : memref<256xf32, #tpu.memory_space<vmem>>) target_semaphore(%arg18 : memref<!tpu.dma_semaphore, #tpu.memory_space<semaphore_mem>>)
    } else {
    }
    %mul3A_123 = arith.constant 2 : i32
    %mul3A_124 = arith.muli %mul3A_123, %scan3A : i32
    %add3A_125 = arith.constant 1 : i32
    %add3A_126 = arith.addi %mul3A_124, %add3A_125 : i32
    %mul3A_127 = arith.constant 256 : i32
    %mul3A_128 = arith.muli %add3A_126, %mul3A_127 : i32
    %add3A_129 = arith.addi %mul3A_34, %mul3A_128 : i32
    %dma_wait3A_130 = arith.constant 0 : i32
    %dma_wait3A_131 = tpu.memref_slice %arg3[%add3A_18, %dma_wait3A_130, %add3A_129] : memref<16x64x4096xf32, #tpu.memory_space<hbm>> -> memref<1x64x256xf32, #tpu.memory_space<hbm>>
    %dma_wait3A_132 = tpu.memref_squeeze %dma_wait3A_131 : memref<1x64x256xf32, #tpu.memory_space<hbm>> -> memref<64x256xf32, #tpu.memory_space<hbm>>
    %dma_wait3A_133 = arith.constant 0 : i32
    %dma_wait3A_134 = tpu.memref_slice %arg3[%add3A_18, %dma_wait3A_133, %add3A_129] : memref<16x64x4096xf32, #tpu.memory_space<hbm>> -> memref<1x64x256xf32, #tpu.memory_space<hbm>>
    %dma_wait3A_135 = tpu.memref_squeeze %dma_wait3A_134 : memref<1x64x256xf32, #tpu.memory_space<hbm>> -> memref<64x256xf32, #tpu.memory_space<hbm>>
    tpu.wait_dma2 semaphore(%arg19 : memref<!tpu.dma_semaphore, #tpu.memory_space<semaphore_mem>>) src(%dma_wait3A_135 : memref<64x256xf32, #tpu.memory_space<hbm>>) dst(%arg9 : memref<64x256xf32, #tpu.memory_space<vmem>>)
    %dma_wait3A_136 = arith.constant 0 : i32
    %dma_wait3A_137 = tpu.memref_slice %arg4[%add3A_18, %dma_wait3A_136, %add3A_129] : memref<16x64x4096xf32, #tpu.memory_space<hbm>> -> memref<1x64x256xf32, #tpu.memory_space<hbm>>
    %dma_wait3A_138 = tpu.memref_squeeze %dma_wait3A_137 : memref<1x64x256xf32, #tpu.memory_space<hbm>> -> memref<64x256xf32, #tpu.memory_space<hbm>>
    %dma_wait3A_139 = arith.constant 0 : i32
    %dma_wait3A_140 = tpu.memref_slice %arg4[%add3A_18, %dma_wait3A_139, %add3A_129] : memref<16x64x4096xf32, #tpu.memory_space<hbm>> -> memref<1x64x256xf32, #tpu.memory_space<hbm>>
    %dma_wait3A_141 = tpu.memref_squeeze %dma_wait3A_140 : memref<1x64x256xf32, #tpu.memory_space<hbm>> -> memref<64x256xf32, #tpu.memory_space<hbm>>
    tpu.wait_dma2 semaphore(%arg19 : memref<!tpu.dma_semaphore, #tpu.memory_space<semaphore_mem>>) src(%dma_wait3A_141 : memref<64x256xf32, #tpu.memory_space<hbm>>) dst(%arg11 : memref<64x256xf32, #tpu.memory_space<vmem>>)
    %dma_wait3A_142 = tpu.memref_slice %arg5[%add3A_18, %add3A_129] : memref<16x4096xf32, #tpu.memory_space<hbm>> -> memref<1x256xf32, #tpu.memory_space<hbm>>
    %dma_wait3A_143 = tpu.memref_squeeze %dma_wait3A_142 : memref<1x256xf32, #tpu.memory_space<hbm>> -> memref<256xf32, #tpu.memory_space<hbm>>
    %dma_wait3A_144 = tpu.memref_slice %arg5[%add3A_18, %add3A_129] : memref<16x4096xf32, #tpu.memory_space<hbm>> -> memref<1x256xf32, #tpu.memory_space<hbm>>
    %dma_wait3A_145 = tpu.memref_squeeze %dma_wait3A_144 : memref<1x256xf32, #tpu.memory_space<hbm>> -> memref<256xf32, #tpu.memory_space<hbm>>
    tpu.wait_dma2 semaphore(%arg19 : memref<!tpu.dma_semaphore, #tpu.memory_space<semaphore_mem>>) src(%dma_wait3A_145 : memref<256xf32, #tpu.memory_space<hbm>>) dst(%arg13 : memref<256xf32, #tpu.memory_space<vmem>>)
    %dma_wait3A_146 = tpu.memref_slice %arg6[%add3A_18, %add3A_129] : memref<16x4096xf32, #tpu.memory_space<hbm>> -> memref<1x256xf32, #tpu.memory_space<hbm>>
    %dma_wait3A_147 = tpu.memref_squeeze %dma_wait3A_146 : memref<1x256xf32, #tpu.memory_space<hbm>> -> memref<256xf32, #tpu.memory_space<hbm>>
    %dma_wait3A_148 = tpu.memref_slice %arg6[%add3A_18, %add3A_129] : memref<16x4096xf32, #tpu.memory_space<hbm>> -> memref<1x256xf32, #tpu.memory_space<hbm>>
    %dma_wait3A_149 = tpu.memref_squeeze %dma_wait3A_148 : memref<1x256xf32, #tpu.memory_space<hbm>> -> memref<256xf32, #tpu.memory_space<hbm>>
    tpu.wait_dma2 semaphore(%arg19 : memref<!tpu.dma_semaphore, #tpu.memory_space<semaphore_mem>>) src(%dma_wait3A_149 : memref<256xf32, #tpu.memory_space<hbm>>) dst(%arg15 : memref<256xf32, #tpu.memory_space<vmem>>)
    %parallel_loop3A_150 = arith.constant 0 : i32
    %parallel_loop3A_151 = arith.constant 16 : i32
    %parallel_loop3A_152 = arith.constant 1 : i32
    %parallel_loop3A_153:4 = scf.for %parallel_loop3A_167 = %parallel_loop3A_150 to %parallel_loop3A_151 step %parallel_loop3A_152 iter_args(%parallel_loop3A_168 = %parallel_loop3A_117#0, %parallel_loop3A_169 = %parallel_loop3A_117#1, %parallel_loop3A_170 = %parallel_loop3A_117#2, %parallel_loop3A_171 = %parallel_loop3A_117#3) -> (vector<16xf32>, vector<16xf32>, vector<16xf32>, vector<16xf32>)  : i32 {
      %parallel_loop3A_172 = arith.constant 16 : i32
      %parallel_loop3A_173 = arith.muli %parallel_loop3A_167, %parallel_loop3A_172 : i32
      %parallel_loop3A_174 = arith.constant 0.000000e+00 : f32
      %parallel_loop3A_175 = vector.broadcast %parallel_loop3A_174 : f32 to vector<16xf32>
      %parallel_loop3A_176 = arith.constant 0 : i32
      %parallel_loop3A_177 = arith.constant 8 : i32
      %parallel_loop3A_178 = arith.addi %parallel_loop3A_176, %parallel_loop3A_177 : i32
      %parallel_loop3A_179 = arith.constant 1 : i32
      %parallel_loop3A_180:8 = scf.for %scan3A_253 = %parallel_loop3A_176 to %parallel_loop3A_178 step %parallel_loop3A_179 iter_args(%scan3A_254 = %parallel_loop3A_175, %scan3A_255 = %parallel_loop3A_175, %scan3A_256 = %parallel_loop3A_175, %scan3A_257 = %parallel_loop3A_175, %scan3A_258 = %parallel_loop3A_175, %scan3A_259 = %parallel_loop3A_175, %scan3A_260 = %parallel_loop3A_175, %scan3A_261 = %parallel_loop3A_175) -> (vector<16xf32>, vector<16xf32>, vector<16xf32>, vector<16xf32>, vector<16xf32>, vector<16xf32>, vector<16xf32>, vector<16xf32>)  : i32 {
        %parallel_loop3A_262 = arith.constant 8 : i32
        %parallel_loop3A_263 = arith.muli %scan3A_253, %parallel_loop3A_262 : i32
        %parallel_loop3A_264 = arith.constant 0 : i32
        %parallel_loop3A_265 = arith.addi %parallel_loop3A_263, %parallel_loop3A_264 : i32
        %parallel_loop3A_266 = arith.index_cast %parallel_loop3A_265 : i32 to index
        %parallel_loop3A_267 = arith.index_cast %parallel_loop3A_173 : i32 to index
        %parallel_loop3A_268 = tpu.vector_load %arg9[%parallel_loop3A_266, %parallel_loop3A_267] {strides = array<i32>} : memref<64x256xf32, #tpu.memory_space<vmem>>, vector<16xf32>,
        %parallel_loop3A_269 = arith.constant 0 : i32
        %parallel_loop3A_270 = arith.addi %parallel_loop3A_263, %parallel_loop3A_269 : i32
        %parallel_loop3A_271 = arith.index_cast %parallel_loop3A_270 : i32 to index
        %parallel_loop3A_272 = arith.index_cast %parallel_loop3A_173 : i32 to index
        %parallel_loop3A_273 = tpu.vector_load %arg11[%parallel_loop3A_271, %parallel_loop3A_272] {strides = array<i32>} : memref<64x256xf32, #tpu.memory_space<vmem>>, vector<16xf32>,
        %parallel_loop3A_274 = arith.mulf %parallel_loop3A_268, %parallel_loop3A_273 : vector<16xf32>
        %parallel_loop3A_275 = arith.addf %scan3A_254, %parallel_loop3A_274 : vector<16xf32>
        %parallel_loop3A_276 = arith.constant 1 : i32
        %parallel_loop3A_277 = arith.addi %parallel_loop3A_263, %parallel_loop3A_276 : i32
        %parallel_loop3A_278 = arith.index_cast %parallel_loop3A_277 : i32 to index
        %parallel_loop3A_279 = arith.index_cast %parallel_loop3A_173 : i32 to index
        %parallel_loop3A_280 = tpu.vector_load %arg9[%parallel_loop3A_278, %parallel_loop3A_279] {strides = array<i32>} : memref<64x256xf32, #tpu.memory_space<vmem>>, vector<16xf32>,
        %parallel_loop3A_281 = arith.constant 1 : i32
        %parallel_loop3A_282 = arith.addi %parallel_loop3A_263, %parallel_loop3A_281 : i32
        %parallel_loop3A_283 = arith.index_cast %parallel_loop3A_282 : i32 to index
        %parallel_loop3A_284 = arith.index_cast %parallel_loop3A_173 : i32 to index
        %parallel_loop3A_285 = tpu.vector_load %arg11[%parallel_loop3A_283, %parallel_loop3A_284] {strides = array<i32>} : memref<64x256xf32, #tpu.memory_space<vmem>>, vector<16xf32>,
        %parallel_loop3A_286 = arith.mulf %parallel_loop3A_280, %parallel_loop3A_285 : vector<16xf32>
        %parallel_loop3A_287 = arith.addf %scan3A_255, %parallel_loop3A_286 : vector<16xf32>
        %parallel_loop3A_288 = arith.constant 2 : i32
        %parallel_loop3A_289 = arith.addi %parallel_loop3A_263, %parallel_loop3A_288 : i32
        %parallel_loop3A_290 = arith.index_cast %parallel_loop3A_289 : i32 to index
        %parallel_loop3A_291 = arith.index_cast %parallel_loop3A_173 : i32 to index
        %parallel_loop3A_292 = tpu.vector_load %arg9[%parallel_loop3A_290, %parallel_loop3A_291] {strides = array<i32>} : memref<64x256xf32, #tpu.memory_space<vmem>>, vector<16xf32>,
        %parallel_loop3A_293 = arith.constant 2 : i32
        %parallel_loop3A_294 = arith.addi %parallel_loop3A_263, %parallel_loop3A_293 : i32
        %parallel_loop3A_295 = arith.index_cast %parallel_loop3A_294 : i32 to index
        %parallel_loop3A_296 = arith.index_cast %parallel_loop3A_173 : i32 to index
        %parallel_loop3A_297 = tpu.vector_load %arg11[%parallel_loop3A_295, %parallel_loop3A_296] {strides = array<i32>} : memref<64x256xf32, #tpu.memory_space<vmem>>, vector<16xf32>,
        %parallel_loop3A_298 = arith.mulf %parallel_loop3A_292, %parallel_loop3A_297 : vector<16xf32>
        %parallel_loop3A_299 = arith.addf %scan3A_256, %parallel_loop3A_298 : vector<16xf32>
        %parallel_loop3A_300 = arith.constant 3 : i32
        %parallel_loop3A_301 = arith.addi %parallel_loop3A_263, %parallel_loop3A_300 : i32
        %parallel_loop3A_302 = arith.index_cast %parallel_loop3A_301 : i32 to index
        %parallel_loop3A_303 = arith.index_cast %parallel_loop3A_173 : i32 to index
        %parallel_loop3A_304 = tpu.vector_load %arg9[%parallel_loop3A_302, %parallel_loop3A_303] {strides = array<i32>} : memref<64x256xf32, #tpu.memory_space<vmem>>, vector<16xf32>,
        %parallel_loop3A_305 = arith.constant 3 : i32
        %parallel_loop3A_306 = arith.addi %parallel_loop3A_263, %parallel_loop3A_305 : i32
        %parallel_loop3A_307 = arith.index_cast %parallel_loop3A_306 : i32 to index
        %parallel_loop3A_308 = arith.index_cast %parallel_loop3A_173 : i32 to index
        %parallel_loop3A_309 = tpu.vector_load %arg11[%parallel_loop3A_307, %parallel_loop3A_308] {strides = array<i32>} : memref<64x256xf32, #tpu.memory_space<vmem>>, vector<16xf32>,
        %parallel_loop3A_310 = arith.mulf %parallel_loop3A_304, %parallel_loop3A_309 : vector<16xf32>
        %parallel_loop3A_311 = arith.addf %scan3A_257, %parallel_loop3A_310 : vector<16xf32>
        %parallel_loop3A_312 = arith.constant 4 : i32
        %parallel_loop3A_313 = arith.addi %parallel_loop3A_263, %parallel_loop3A_312 : i32
        %parallel_loop3A_314 = arith.index_cast %parallel_loop3A_313 : i32 to index
        %parallel_loop3A_315 = arith.index_cast %parallel_loop3A_173 : i32 to index
        %parallel_loop3A_316 = tpu.vector_load %arg9[%parallel_loop3A_314, %parallel_loop3A_315] {strides = array<i32>} : memref<64x256xf32, #tpu.memory_space<vmem>>, vector<16xf32>,
        %parallel_loop3A_317 = arith.constant 4 : i32
        %parallel_loop3A_318 = arith.addi %parallel_loop3A_263, %parallel_loop3A_317 : i32
        %parallel_loop3A_319 = arith.index_cast %parallel_loop3A_318 : i32 to index
        %parallel_loop3A_320 = arith.index_cast %parallel_loop3A_173 : i32 to index
        %parallel_loop3A_321 = tpu.vector_load %arg11[%parallel_loop3A_319, %parallel_loop3A_320] {strides = array<i32>} : memref<64x256xf32, #tpu.memory_space<vmem>>, vector<16xf32>,
        %parallel_loop3A_322 = arith.mulf %parallel_loop3A_316, %parallel_loop3A_321 : vector<16xf32>
        %parallel_loop3A_323 = arith.addf %scan3A_258, %parallel_loop3A_322 : vector<16xf32>
        %parallel_loop3A_324 = arith.constant 5 : i32
        %parallel_loop3A_325 = arith.addi %parallel_loop3A_263, %parallel_loop3A_324 : i32
        %parallel_loop3A_326 = arith.index_cast %parallel_loop3A_325 : i32 to index
        %parallel_loop3A_327 = arith.index_cast %parallel_loop3A_173 : i32 to index
        %parallel_loop3A_328 = tpu.vector_load %arg9[%parallel_loop3A_326, %parallel_loop3A_327] {strides = array<i32>} : memref<64x256xf32, #tpu.memory_space<vmem>>, vector<16xf32>,
        %parallel_loop3A_329 = arith.constant 5 : i32
        %parallel_loop3A_330 = arith.addi %parallel_loop3A_263, %parallel_loop3A_329 : i32
        %parallel_loop3A_331 = arith.index_cast %parallel_loop3A_330 : i32 to index
        %parallel_loop3A_332 = arith.index_cast %parallel_loop3A_173 : i32 to index
        %parallel_loop3A_333 = tpu.vector_load %arg11[%parallel_loop3A_331, %parallel_loop3A_332] {strides = array<i32>} : memref<64x256xf32, #tpu.memory_space<vmem>>, vector<16xf32>,
        %parallel_loop3A_334 = arith.mulf %parallel_loop3A_328, %parallel_loop3A_333 : vector<16xf32>
        %parallel_loop3A_335 = arith.addf %scan3A_259, %parallel_loop3A_334 : vector<16xf32>
        %parallel_loop3A_336 = arith.constant 6 : i32
        %parallel_loop3A_337 = arith.addi %parallel_loop3A_263, %parallel_loop3A_336 : i32
        %parallel_loop3A_338 = arith.index_cast %parallel_loop3A_337 : i32 to index
        %parallel_loop3A_339 = arith.index_cast %parallel_loop3A_173 : i32 to index
        %parallel_loop3A_340 = tpu.vector_load %arg9[%parallel_loop3A_338, %parallel_loop3A_339] {strides = array<i32>} : memref<64x256xf32, #tpu.memory_space<vmem>>, vector<16xf32>,
        %parallel_loop3A_341 = arith.constant 6 : i32
        %parallel_loop3A_342 = arith.addi %parallel_loop3A_263, %parallel_loop3A_341 : i32
        %parallel_loop3A_343 = arith.index_cast %parallel_loop3A_342 : i32 to index
        %parallel_loop3A_344 = arith.index_cast %parallel_loop3A_173 : i32 to index
        %parallel_loop3A_345 = tpu.vector_load %arg11[%parallel_loop3A_343, %parallel_loop3A_344] {strides = array<i32>} : memref<64x256xf32, #tpu.memory_space<vmem>>, vector<16xf32>,
        %parallel_loop3A_346 = arith.mulf %parallel_loop3A_340, %parallel_loop3A_345 : vector<16xf32>
        %parallel_loop3A_347 = arith.addf %scan3A_260, %parallel_loop3A_346 : vector<16xf32>
        %parallel_loop3A_348 = arith.constant 7 : i32
        %parallel_loop3A_349 = arith.addi %parallel_loop3A_263, %parallel_loop3A_348 : i32
        %parallel_loop3A_350 = arith.index_cast %parallel_loop3A_349 : i32 to index
        %parallel_loop3A_351 = arith.index_cast %parallel_loop3A_173 : i32 to index
        %parallel_loop3A_352 = tpu.vector_load %arg9[%parallel_loop3A_350, %parallel_loop3A_351] {strides = array<i32>} : memref<64x256xf32, #tpu.memory_space<vmem>>, vector<16xf32>,
        %parallel_loop3A_353 = arith.constant 7 : i32
        %parallel_loop3A_354 = arith.addi %parallel_loop3A_263, %parallel_loop3A_353 : i32
        %parallel_loop3A_355 = arith.index_cast %parallel_loop3A_354 : i32 to index
        %parallel_loop3A_356 = arith.index_cast %parallel_loop3A_173 : i32 to index
        %parallel_loop3A_357 = tpu.vector_load %arg11[%parallel_loop3A_355, %parallel_loop3A_356] {strides = array<i32>} : memref<64x256xf32, #tpu.memory_space<vmem>>, vector<16xf32>,
        %parallel_loop3A_358 = arith.mulf %parallel_loop3A_352, %parallel_loop3A_357 : vector<16xf32>
        %parallel_loop3A_359 = arith.addf %scan3A_261, %parallel_loop3A_358 : vector<16xf32>
        scf.yield %parallel_loop3A_275, %parallel_loop3A_287, %parallel_loop3A_299, %parallel_loop3A_311, %parallel_loop3A_323, %parallel_loop3A_335, %parallel_loop3A_347, %parallel_loop3A_359 : vector<16xf32>, vector<16xf32>, vector<16xf32>, vector<16xf32>, vector<16xf32>, vector<16xf32>, vector<16xf32>, vector<16xf32>
      }
      %parallel_loop3A_181 = arith.constant 8 : i32
      %parallel_loop3A_182 = arith.addf %parallel_loop3A_180#0, %parallel_loop3A_180#1 : vector<16xf32>
      %parallel_loop3A_183 = arith.addf %parallel_loop3A_180#2, %parallel_loop3A_180#3 : vector<16xf32>
      %parallel_loop3A_184 = arith.addf %parallel_loop3A_182, %parallel_loop3A_183 : vector<16xf32>
      %parallel_loop3A_185 = arith.addf %parallel_loop3A_180#4, %parallel_loop3A_180#5 : vector<16xf32>
      %parallel_loop3A_186 = arith.addf %parallel_loop3A_180#6, %parallel_loop3A_180#7 : vector<16xf32>
      %parallel_loop3A_187 = arith.addf %parallel_loop3A_185, %parallel_loop3A_186 : vector<16xf32>
      %parallel_loop3A_188 = arith.addf %parallel_loop3A_184, %parallel_loop3A_187 : vector<16xf32>
      %parallel_loop3A_189 = arith.constant 2.000000e+01 : f32
      %parallel_loop3A_190 = vector.broadcast %parallel_loop3A_189 : f32 to vector<16xf32>
      %parallel_loop3A_191 = arith.mulf %parallel_loop3A_188, %parallel_loop3A_190 : vector<16xf32>
      %parallel_loop3A_192 = arith.index_cast %parallel_loop3A_173 : i32 to index
      %parallel_loop3A_193 = tpu.vector_load %arg15[%parallel_loop3A_192] {strides = array<i32>} : memref<256xf32, #tpu.memory_space<vmem>>, vector<16xf32>,
      %parallel_loop3A_194 = arith.index_cast %parallel_loop3A_173 : i32 to index
      %parallel_loop3A_195 = tpu.vector_load %arg13[%parallel_loop3A_194] {strides = array<i32>} : memref<256xf32, #tpu.memory_space<vmem>>, vector<16xf32>,
      %parallel_loop3A_196 = arith.constant 256 : i32
      %parallel_loop3A_197 = arith.muli %add3A_126, %parallel_loop3A_196 : i32
      %parallel_loop3A_198 = arith.addi %mul3A_34, %parallel_loop3A_197 : i32
      %parallel_loop3A_199 = arith.addi %parallel_loop3A_198, %parallel_loop3A_173 : i32
      %parallel_loop3A_200 = vector.broadcast %parallel_loop3A_199 : i32 to vector<16xi32>
      %parallel_loop3A_201 = arith.addi %parallel_loop3A_200, %iota3A : vector<16xi32>
      %parallel_loop3A_202 = arith.cmpi slt, %parallel_loop3A_201, %gather3A_43 : vector<16xi32>
      %parallel_loop3A_203 = arith.constant 0.000000e+00 : f32
      %parallel_loop3A_204 = vector.broadcast %parallel_loop3A_203 : f32 to vector<16xf32>
      %parallel_loop3A_205 = arith.select %parallel_loop3A_202, %parallel_loop3A_195, %parallel_loop3A_204 : vector<16xi1>, vector<16xf32>
      %parallel_loop3A_206 = arith.constant 0.000000e+00 : f32
      %parallel_loop3A_207 = vector.broadcast %parallel_loop3A_206 : f32 to vector<16xf32>
      %parallel_loop3A_208 = arith.maximumf %parallel_loop3A_191, %parallel_loop3A_207 : vector<16xf32>
      %parallel_loop3A_209 = arith.mulf %parallel_loop3A_191, %parallel_loop3A_193 : vector<16xf32>
      %parallel_loop3A_210 = arith.subf %parallel_loop3A_208, %parallel_loop3A_209 : vector<16xf32>
      %parallel_loop3A_211 = math.absf %parallel_loop3A_191 : vector<16xf32>
      %parallel_loop3A_212 = arith.constant 0.000000e+00 : f32
      %parallel_loop3A_213 = vector.broadcast %parallel_loop3A_212 : f32 to vector<16xf32>
      %parallel_loop3A_214 = arith.subf %parallel_loop3A_213, %parallel_loop3A_211 : vector<16xf32>
      %parallel_loop3A_215 = math.exp %parallel_loop3A_214 : vector<16xf32>
      %parallel_loop3A_216 = arith.constant 2.000000e+00 : f32
      %parallel_loop3A_217 = vector.broadcast %parallel_loop3A_216 : f32 to vector<16xf32>
      %parallel_loop3A_218 = arith.addf %parallel_loop3A_215, %parallel_loop3A_217 : vector<16xf32>
      %parallel_loop3A_219 = arith.divf %parallel_loop3A_215, %parallel_loop3A_218 : vector<16xf32>
      %parallel_loop3A_220 = arith.mulf %parallel_loop3A_219, %parallel_loop3A_219 : vector<16xf32>
      %parallel_loop3A_221 = arith.constant 0.111111112 : f32
      %parallel_loop3A_222 = vector.broadcast %parallel_loop3A_221 : f32 to vector<16xf32>
      %parallel_loop3A_223 = arith.mulf %parallel_loop3A_220, %parallel_loop3A_222 : vector<16xf32>
      %parallel_loop3A_224 = arith.constant 0.142857149 : f32
      %parallel_loop3A_225 = vector.broadcast %parallel_loop3A_224 : f32 to vector<16xf32>
      %parallel_loop3A_226 = arith.addf %parallel_loop3A_225, %parallel_loop3A_223 : vector<16xf32>
      %parallel_loop3A_227 = arith.mulf %parallel_loop3A_220, %parallel_loop3A_226 : vector<16xf32>
      %parallel_loop3A_228 = arith.constant 2.000000e-01 : f32
      %parallel_loop3A_229 = vector.broadcast %parallel_loop3A_228 : f32 to vector<16xf32>
      %parallel_loop3A_230 = arith.addf %parallel_loop3A_229, %parallel_loop3A_227 : vector<16xf32>
      %parallel_loop3A_231 = arith.mulf %parallel_loop3A_220, %parallel_loop3A_230 : vector<16xf32>
      %parallel_loop3A_232 = arith.constant 0.333333343 : f32
      %parallel_loop3A_233 = vector.broadcast %parallel_loop3A_232 : f32 to vector<16xf32>
      %parallel_loop3A_234 = arith.addf %parallel_loop3A_233, %parallel_loop3A_231 : vector<16xf32>
      %parallel_loop3A_235 = arith.constant 2.000000e+00 : f32
      %parallel_loop3A_236 = vector.broadcast %parallel_loop3A_235 : f32 to vector<16xf32>
      %parallel_loop3A_237 = arith.mulf %parallel_loop3A_236, %parallel_loop3A_219 : vector<16xf32>
      %parallel_loop3A_238 = arith.mulf %parallel_loop3A_220, %parallel_loop3A_234 : vector<16xf32>
      %parallel_loop3A_239 = arith.constant 1.000000e+00 : f32
      %parallel_loop3A_240 = vector.broadcast %parallel_loop3A_239 : f32 to vector<16xf32>
      %parallel_loop3A_241 = arith.addf %parallel_loop3A_240, %parallel_loop3A_238 : vector<16xf32>
      %parallel_loop3A_242 = arith.mulf %parallel_loop3A_237, %parallel_loop3A_241 : vector<16xf32>
      %parallel_loop3A_243 = arith.addf %parallel_loop3A_210, %parallel_loop3A_242 : vector<16xf32>
      %parallel_loop3A_244 = arith.mulf %parallel_loop3A_243, %parallel_loop3A_205 : vector<16xf32>
      %parallel_loop3A_245 = arith.subf %parallel_loop3A_244, %parallel_loop3A_169 : vector<16xf32>
      %parallel_loop3A_246 = arith.addf %parallel_loop3A_168, %parallel_loop3A_245 : vector<16xf32>
      %parallel_loop3A_247 = arith.subf %parallel_loop3A_246, %parallel_loop3A_168 : vector<16xf32>
      %parallel_loop3A_248 = arith.subf %parallel_loop3A_247, %parallel_loop3A_245 : vector<16xf32>
      %parallel_loop3A_249 = arith.subf %parallel_loop3A_205, %parallel_loop3A_171 : vector<16xf32>
      %parallel_loop3A_250 = arith.addf %parallel_loop3A_170, %parallel_loop3A_249 : vector<16xf32>
      %parallel_loop3A_251 = arith.subf %parallel_loop3A_250, %parallel_loop3A_170 : vector<16xf32>
      %parallel_loop3A_252 = arith.subf %parallel_loop3A_251, %parallel_loop3A_249 : vector<16xf32>
      scf.yield %parallel_loop3A_246, %parallel_loop3A_248, %parallel_loop3A_250, %parallel_loop3A_252 : vector<16xf32>, vector<16xf32>, vector<16xf32>, vector<16xf32>
    } {sc.loop_unroll_factor = 1 : i64, sc.parallel_access}
    %add3A_154 = arith.constant 2 : i32
    %add3A_155 = arith.addi %add3A_126, %add3A_154 : i32
    %lt3A_156 = arith.constant 2 : i32
    %lt3A_157 = arith.cmpi slt, %add3A_155, %lt3A_156 : i32
    %convert_element_type3A_158 = arith.extui %lt3A_157 : i1 to i32
    %cond3A_159 = arith.constant 0 : i32
    %cond3A_160 = arith.cmpi ne, %convert_element_type3A_158, %cond3A_159 : i32
    scf.if %cond3A_160 {
      %add3A_167 = arith.constant 2 : i32
      %add3A_168 = arith.addi %add3A_126, %add3A_167 : i32
      %mul3A_169 = arith.constant 256 : i32
      %mul3A_170 = arith.muli %add3A_168, %mul3A_169 : i32
      %add3A_171 = arith.addi %mul3A_34, %mul3A_170 : i32
      %dma_start3A_172 = arith.constant 0 : i32
      %dma_start3A_173 = tpu.memref_slice %arg3[%add3A_18, %dma_start3A_172, %add3A_171] : memref<16x64x4096xf32, #tpu.memory_space<hbm>> -> memref<1x64x256xf32, #tpu.memory_space<hbm>>
      %dma_start3A_174 = tpu.memref_squeeze %dma_start3A_173 : memref<1x64x256xf32, #tpu.memory_space<hbm>> -> memref<64x256xf32, #tpu.memory_space<hbm>>
      %dma_start3A_175 = arith.constant 0 : i32
      %dma_start3A_176 = tpu.memref_slice %arg3[%add3A_18, %dma_start3A_175, %add3A_171] : memref<16x64x4096xf32, #tpu.memory_space<hbm>> -> memref<1x64x256xf32, #tpu.memory_space<hbm>>
      %dma_start3A_177 = tpu.memref_squeeze %dma_start3A_176 : memref<1x64x256xf32, #tpu.memory_space<hbm>> -> memref<64x256xf32, #tpu.memory_space<hbm>>
      tpu.enqueue_dma source(%dma_start3A_177 : memref<64x256xf32, #tpu.memory_space<hbm>>) target(%arg9 : memref<64x256xf32, #tpu.memory_space<vmem>>) target_semaphore(%arg19 : memref<!tpu.dma_semaphore, #tpu.memory_space<semaphore_mem>>)
      %dma_start3A_178 = arith.constant 0 : i32
      %dma_start3A_179 = tpu.memref_slice %arg4[%add3A_18, %dma_start3A_178, %add3A_171] : memref<16x64x4096xf32, #tpu.memory_space<hbm>> -> memref<1x64x256xf32, #tpu.memory_space<hbm>>
      %dma_start3A_180 = tpu.memref_squeeze %dma_start3A_179 : memref<1x64x256xf32, #tpu.memory_space<hbm>> -> memref<64x256xf32, #tpu.memory_space<hbm>>
      %dma_start3A_181 = arith.constant 0 : i32
      %dma_start3A_182 = tpu.memref_slice %arg4[%add3A_18, %dma_start3A_181, %add3A_171] : memref<16x64x4096xf32, #tpu.memory_space<hbm>> -> memref<1x64x256xf32, #tpu.memory_space<hbm>>
      %dma_start3A_183 = tpu.memref_squeeze %dma_start3A_182 : memref<1x64x256xf32, #tpu.memory_space<hbm>> -> memref<64x256xf32, #tpu.memory_space<hbm>>
      tpu.enqueue_dma source(%dma_start3A_183 : memref<64x256xf32, #tpu.memory_space<hbm>>) target(%arg11 : memref<64x256xf32, #tpu.memory_space<vmem>>) target_semaphore(%arg19 : memref<!tpu.dma_semaphore, #tpu.memory_space<semaphore_mem>>)
      %dma_start3A_184 = tpu.memref_slice %arg5[%add3A_18, %add3A_171] : memref<16x4096xf32, #tpu.memory_space<hbm>> -> memref<1x256xf32, #tpu.memory_space<hbm>>
      %dma_start3A_185 = tpu.memref_squeeze %dma_start3A_184 : memref<1x256xf32, #tpu.memory_space<hbm>> -> memref<256xf32, #tpu.memory_space<hbm>>
      %dma_start3A_186 = tpu.memref_slice %arg5[%add3A_18, %add3A_171] : memref<16x4096xf32, #tpu.memory_space<hbm>> -> memref<1x256xf32, #tpu.memory_space<hbm>>
      %dma_start3A_187 = tpu.memref_squeeze %dma_start3A_186 : memref<1x256xf32, #tpu.memory_space<hbm>> -> memref<256xf32, #tpu.memory_space<hbm>>
      tpu.enqueue_dma source(%dma_start3A_187 : memref<256xf32, #tpu.memory_space<hbm>>) target(%arg13 : memref<256xf32, #tpu.memory_space<vmem>>) target_semaphore(%arg19 : memref<!tpu.dma_semaphore, #tpu.memory_space<semaphore_mem>>)
      %dma_start3A_188 = tpu.memref_slice %arg6[%add3A_18, %add3A_171] : memref<16x4096xf32, #tpu.memory_space<hbm>> -> memref<1x256xf32, #tpu.memory_space<hbm>>
      %dma_start3A_189 = tpu.memref_squeeze %dma_start3A_188 : memref<1x256xf32, #tpu.memory_space<hbm>> -> memref<256xf32, #tpu.memory_space<hbm>>
      %dma_start3A_190 = tpu.memref_slice %arg6[%add3A_18, %add3A_171] : memref<16x4096xf32, #tpu.memory_space<hbm>> -> memref<1x256xf32, #tpu.memory_space<hbm>>
      %dma_start3A_191 = tpu.memref_squeeze %dma_start3A_190 : memref<1x256xf32, #tpu.memory_space<hbm>> -> memref<256xf32, #tpu.memory_space<hbm>>
      tpu.enqueue_dma source(%dma_start3A_191 : memref<256xf32, #tpu.memory_space<hbm>>) target(%arg15 : memref<256xf32, #tpu.memory_space<vmem>>) target_semaphore(%arg19 : memref<!tpu.dma_semaphore, #tpu.memory_space<semaphore_mem>>)
    } else {
    }
    %scan3A_161 = arith.constant 1 : i32
    %swap3A = arith.constant 0 : index
    %swap3A_162 = tpu.vector_load %arg17[%swap3A] {strides = array<i32>} : memref<32xf32, #tpu.memory_space<vmem>>, vector<16xf32>,
    tpu.vector_store %arg17[%swap3A], %parallel_loop3A_153#0 {strides = array<i32>} : memref<32xf32, #tpu.memory_space<vmem>>, vector<16xf32>,
    %swap3A_163 = arith.constant 16 : index
    %swap3A_164 = tpu.vector_load %arg17[%swap3A_163] {strides = array<i32>} : memref<32xf32, #tpu.memory_space<vmem>>, vector<16xf32>,
    tpu.vector_store %arg17[%swap3A_163], %parallel_loop3A_153#2 {strides = array<i32>} : memref<32xf32, #tpu.memory_space<vmem>>, vector<16xf32>,
    %mul3A_165 = arith.constant 32 : i32
    %mul3A_166 = arith.muli %add3A, %mul3A_165 : i32
    "tpu.region"() ({
      %run_scoped3A = tpu.sem_alloc : memref<!tpu.dma_semaphore, #tpu.memory_space<semaphore_mem>>
      %dma_start3A_167 = tpu.memref_slice %arg7[%mul3A_166] : memref<1024xf32, #tpu.memory_space<hbm>> -> memref<32xf32, #tpu.memory_space<hbm>>
      %dma_start3A_168 = tpu.memref_slice %arg7[%mul3A_166] : memref<1024xf32, #tpu.memory_space<hbm>> -> memref<32xf32, #tpu.memory_space<hbm>>
      tpu.enqueue_dma source(%arg17 : memref<32xf32, #tpu.memory_space<vmem>>) target(%dma_start3A_168 : memref<32xf32, #tpu.memory_space<hbm>>) target_semaphore(%run_scoped3A : memref<!tpu.dma_semaphore, #tpu.memory_space<semaphore_mem>>)
      %dma_wait3A_169 = tpu.memref_slice %arg7[%mul3A_166] : memref<1024xf32, #tpu.memory_space<hbm>> -> memref<32xf32, #tpu.memory_space<hbm>>
      %dma_wait3A_170 = tpu.memref_slice %arg7[%mul3A_166] : memref<1024xf32, #tpu.memory_space<hbm>> -> memref<32xf32, #tpu.memory_space<hbm>>
      tpu.wait_dma2 semaphore(%run_scoped3A : memref<!tpu.dma_semaphore, #tpu.memory_space<semaphore_mem>>) src(%arg17 : memref<32xf32, #tpu.memory_space<vmem>>) dst(%dma_wait3A_170 : memref<32xf32, #tpu.memory_space<hbm>>)
      tpu.yield
    }) : () -> ()
    return
  }
}

module attributes {stable_mosaic.version = 14 : i64} {
  func.func @_tc_body(%arg0: i32, %arg1: i32, %arg2: memref<16xi32, #tpu.memory_space<smem>>, %arg3: memref<1x64x4096xf32, #tpu.memory_space<vmem>>, %arg4: memref<1x64x4096xf32, #tpu.memory_space<vmem>>, %arg5: memref<16x4096xf32, #tpu.memory_space<vmem>>, %arg6: memref<16x4096xf32, #tpu.memory_space<vmem>>, %arg7: memref<1x1xf32, #tpu.memory_space<smem>>, %arg8: memref<1x1xf32, #tpu.memory_space<smem>>, %arg9: memref<8x512xf32, #tpu.memory_space<vmem>>, %arg10: memref<8x512xf32, #tpu.memory_space<vmem>>) attributes {dimension_semantics = [#tpu.dimension_semantics<arbitrary>, #tpu.dimension_semantics<arbitrary>], iteration_bounds = array<i64: 12, 1>, scalar_prefetch = 0 : i64, scratch_operands = 2 : i64, tpu.core_type = #tpu.core_type<tc>, window_params = [{transform_indices = @transform_0, window_bounds = array<i64: 16>}, {transform_indices = @transform_1, window_bounds = array<i64: 1, 64, 4096>}, {transform_indices = @transform_2, window_bounds = array<i64: 1, 64, 4096>}, {pipeline_mode = #tpu.pipeline_mode<synchronous>, transform_indices = @transform_3, window_bounds = array<i64: 16, 4096>}, {pipeline_mode = #tpu.pipeline_mode<synchronous>, transform_indices = @transform_4, window_bounds = array<i64: 16, 4096>}, {transform_indices = @transform_5, window_bounds = array<i64: 1, 1>}, {transform_indices = @transform_6, window_bounds = array<i64: 1, 1>}]} {
    %get3A = arith.constant 0 : index
    %get3A_0 = arith.constant 0 : index
    %get3A_1 = arith.constant 0 : index
    %get3A_2 = vector.load %arg3[%get3A, %get3A_0, %get3A_1] : memref<1x64x4096xf32, #tpu.memory_space<vmem>>, vector<1x64x4096xf32>
    %get3A_3 = vector.shape_cast %get3A_2 : vector<1x64x4096xf32> to vector<64x4096xf32>
    %get3A_4 = arith.constant 0 : index
    %get3A_5 = arith.constant 0 : index
    %get3A_6 = arith.constant 0 : index
    %get3A_7 = vector.load %arg4[%get3A_4, %get3A_5, %get3A_6] : memref<1x64x4096xf32, #tpu.memory_space<vmem>>, vector<1x64x4096xf32>
    %get3A_8 = vector.shape_cast %get3A_7 : vector<1x64x4096xf32> to vector<64x4096xf32>
    %mul3A = arith.mulf %get3A_3, %get3A_8 : vector<64x4096xf32>
    %reduce_sum3A = arith.constant dense<0.000000e+00> : vector<4096xf32>
    %reduce_sum3A_9 = vector.multi_reduction <add>, %mul3A, %reduce_sum3A [0] : vector<64x4096xf32> to vector<4096xf32>
    %mul3A_10 = arith.constant 2.000000e+01 : f32
    %mul3A_11 = vector.broadcast %mul3A_10 : f32 to vector<4096xf32>
    %mul3A_12 = arith.mulf %reduce_sum3A_9, %mul3A_11 : vector<4096xf32>
    %mul3A_13 = arith.constant 4096 : i32
    %mul3A_14 = arith.muli %arg1, %mul3A_13 : i32
    %iota3A = tpu.iota {dimensions = array<i32: 1>} : vector<1x4096xi32>
    %iota3A_15 = vector.shape_cast %iota3A : vector<1x4096xi32> to vector<4096xi32>
    %add3A = vector.broadcast %mul3A_14 : i32 to vector<4096xi32>
    %add3A_16 = arith.addi %add3A, %iota3A_15 : vector<4096xi32>
    %get3A_17 = arith.index_cast %arg0 : i32 to index
    %get3A_18 = memref.load %arg2[%get3A_17] : memref<16xi32, #tpu.memory_space<smem>>
    %lt3A = vector.broadcast %get3A_18 : i32 to vector<4096xi32>
    %lt3A_19 = arith.cmpi slt, %add3A_16, %lt3A : vector<4096xi32>
    %convert_element_type3A = arith.extui %lt3A_19 : vector<4096xi1> to vector<4096xi32>
    %convert_element_type3A_20 = arith.sitofp %convert_element_type3A : vector<4096xi32> to vector<4096xf32>
    %get3A_21 = arith.index_cast %arg0 : i32 to index
    %get3A_22 = arith.constant 0 : index
    %get3A_23 = vector.load %arg5[%get3A_21, %get3A_22] : memref<16x4096xf32, #tpu.memory_space<vmem>>, vector<1x4096xf32>
    %get3A_24 = vector.shape_cast %get3A_23 : vector<1x4096xf32> to vector<4096xf32>
    %mul3A_25 = arith.mulf %get3A_24, %convert_element_type3A_20 : vector<4096xf32>
    %get3A_26 = arith.index_cast %arg0 : i32 to index
    %get3A_27 = arith.constant 0 : index
    %get3A_28 = vector.load %arg6[%get3A_26, %get3A_27] : memref<16x4096xf32, #tpu.memory_space<vmem>>, vector<1x4096xf32>
    %get3A_29 = vector.shape_cast %get3A_28 : vector<1x4096xf32> to vector<4096xf32>
    %max3A = arith.constant 0.000000e+00 : f32
    %max3A_30 = vector.broadcast %max3A : f32 to vector<4096xf32>
    %max3A_31 = arith.maximumf %mul3A_12, %max3A_30 : vector<4096xf32>
    %mul3A_32 = arith.mulf %mul3A_12, %get3A_29 : vector<4096xf32>
    %sub3A = arith.subf %max3A_31, %mul3A_32 : vector<4096xf32>
    %abs3A = math.absf %mul3A_12 : vector<4096xf32>
    %neg3A = arith.constant 0.000000e+00 : f32
    %neg3A_33 = vector.broadcast %neg3A : f32 to vector<4096xf32>
    %neg3A_34 = arith.subf %neg3A_33, %abs3A : vector<4096xf32>
    %exp3A = math.exp %neg3A_34 : vector<4096xf32>
    %log1p3A = math.log1p %exp3A : vector<4096xf32>
    %add3A_35 = arith.addf %sub3A, %log1p3A : vector<4096xf32>
    %eq3A = arith.constant 0 : i32
    %eq3A_36 = arith.cmpi eq, %arg0, %eq3A : i32
    %eq3A_37 = arith.constant 0 : i32
    %eq3A_38 = arith.cmpi eq, %arg1, %eq3A_37 : i32
    %and3A = arith.andi %eq3A_36, %eq3A_38 : i1
    %convert_element_type3A_39 = arith.extui %and3A : i1 to i32
    %cond3A = arith.constant 0 : i32
    %cond3A_40 = arith.cmpi ne, %convert_element_type3A_39, %cond3A : i32
    scf.if %cond3A_40 {
      %broadcast_in_dim3A = arith.constant 0.000000e+00 : f32
      %broadcast_in_dim3A_64 = vector.broadcast %broadcast_in_dim3A : f32 to vector<8x512xf32>
      %swap3A_65 = arith.constant 0 : index
      %swap3A_66 = arith.constant 0 : index
      %swap3A_67 = vector.load %arg9[%swap3A_65, %swap3A_66] : memref<8x512xf32, #tpu.memory_space<vmem>>, vector<8x512xf32>
      tpu.vector_store %arg9[%swap3A_65, %swap3A_66], %broadcast_in_dim3A_64 {strides = array<i32>} : memref<8x512xf32, #tpu.memory_space<vmem>>, vector<8x512xf32>,
      %broadcast_in_dim3A_68 = arith.constant 0.000000e+00 : f32
      %broadcast_in_dim3A_69 = vector.broadcast %broadcast_in_dim3A_68 : f32 to vector<8x512xf32>
      %swap3A_70 = arith.constant 0 : index
      %swap3A_71 = arith.constant 0 : index
      %swap3A_72 = vector.load %arg10[%swap3A_70, %swap3A_71] : memref<8x512xf32, #tpu.memory_space<vmem>>, vector<8x512xf32>
      tpu.vector_store %arg10[%swap3A_70, %swap3A_71], %broadcast_in_dim3A_69 {strides = array<i32>} : memref<8x512xf32, #tpu.memory_space<vmem>>, vector<8x512xf32>,
    } else {
    }
    %get3A_41 = arith.constant 0 : index
    %get3A_42 = arith.constant 0 : index
    %get3A_43 = vector.load %arg9[%get3A_41, %get3A_42] : memref<8x512xf32, #tpu.memory_space<vmem>>, vector<8x512xf32>
    %mul3A_44 = arith.mulf %add3A_35, %mul3A_25 : vector<4096xf32>
    %reshape3A = vector.shape_cast %mul3A_44 : vector<4096xf32> to vector<8x512xf32>
    %add3A_45 = arith.addf %get3A_43, %reshape3A : vector<8x512xf32>
    %swap3A = arith.constant 0 : index
    %swap3A_46 = arith.constant 0 : index
    %swap3A_47 = vector.load %arg9[%swap3A, %swap3A_46] : memref<8x512xf32, #tpu.memory_space<vmem>>, vector<8x512xf32>
    tpu.vector_store %arg9[%swap3A, %swap3A_46], %add3A_45 {strides = array<i32>} : memref<8x512xf32, #tpu.memory_space<vmem>>, vector<8x512xf32>,
    %get3A_48 = arith.constant 0 : index
    %get3A_49 = arith.constant 0 : index
    %get3A_50 = vector.load %arg10[%get3A_48, %get3A_49] : memref<8x512xf32, #tpu.memory_space<vmem>>, vector<8x512xf32>
    %reshape3A_51 = vector.shape_cast %mul3A_25 : vector<4096xf32> to vector<8x512xf32>
    %add3A_52 = arith.addf %get3A_50, %reshape3A_51 : vector<8x512xf32>
    %swap3A_53 = arith.constant 0 : index
    %swap3A_54 = arith.constant 0 : index
    %swap3A_55 = vector.load %arg10[%swap3A_53, %swap3A_54] : memref<8x512xf32, #tpu.memory_space<vmem>>, vector<8x512xf32>
    tpu.vector_store %arg10[%swap3A_53, %swap3A_54], %add3A_52 {strides = array<i32>} : memref<8x512xf32, #tpu.memory_space<vmem>>, vector<8x512xf32>,
    %eq3A_56 = arith.constant 11 : i32
    %eq3A_57 = arith.cmpi eq, %arg0, %eq3A_56 : i32
    %eq3A_58 = arith.constant 0 : i32
    %eq3A_59 = arith.cmpi eq, %arg1, %eq3A_58 : i32
    %and3A_60 = arith.andi %eq3A_57, %eq3A_59 : i1
    %convert_element_type3A_61 = arith.extui %and3A_60 : i1 to i32
    %cond3A_62 = arith.constant 0 : i32
    %cond3A_63 = arith.cmpi ne, %convert_element_type3A_61, %cond3A_62 : i32
    scf.if %cond3A_63 {
      %get3A_64 = arith.constant 0 : index
      %get3A_65 = arith.constant 0 : index
      %get3A_66 = vector.load %arg9[%get3A_64, %get3A_65] : memref<8x512xf32, #tpu.memory_space<vmem>>, vector<8x512xf32>
      %reduce_sum3A_67 = vector.shape_cast %get3A_66 : vector<8x512xf32> to vector<1x8x512xf32>
      %reduce_sum3A_68 = arith.constant dense<0.000000e+00> : vector<1xf32>
      %reduce_sum3A_69 = vector.multi_reduction <add>, %reduce_sum3A_67, %reduce_sum3A_68 [1, 2] : vector<1x8x512xf32> to vector<1xf32>
      %reduce_sum3A_70 = vector.shape_cast %reduce_sum3A_69 : vector<1xf32> to vector<1x1x1xf32>
      %reduce_sum3A_71 = vector.extract %reduce_sum3A_70[0, 0, 0] : f32 from vector<1x1x1xf32>
      %swap3A_72 = arith.constant 0 : index
      %swap3A_73 = arith.constant 0 : index
      %swap3A_74 = memref.load %arg7[%swap3A_72, %swap3A_73] : memref<1x1xf32, #tpu.memory_space<smem>>
      memref.store %reduce_sum3A_71, %arg7[%swap3A_72, %swap3A_73] : memref<1x1xf32, #tpu.memory_space<smem>>
      %get3A_75 = arith.constant 0 : index
      %get3A_76 = arith.constant 0 : index
      %get3A_77 = vector.load %arg10[%get3A_75, %get3A_76] : memref<8x512xf32, #tpu.memory_space<vmem>>, vector<8x512xf32>
      %reduce_sum3A_78 = vector.shape_cast %get3A_77 : vector<8x512xf32> to vector<1x8x512xf32>
      %reduce_sum3A_79 = arith.constant dense<0.000000e+00> : vector<1xf32>
      %reduce_sum3A_80 = vector.multi_reduction <add>, %reduce_sum3A_78, %reduce_sum3A_79 [1, 2] : vector<1x8x512xf32> to vector<1xf32>
      %reduce_sum3A_81 = vector.shape_cast %reduce_sum3A_80 : vector<1xf32> to vector<1x1x1xf32>
      %reduce_sum3A_82 = vector.extract %reduce_sum3A_81[0, 0, 0] : f32 from vector<1x1x1xf32>
      %swap3A_83 = arith.constant 0 : index
      %swap3A_84 = arith.constant 0 : index
      %swap3A_85 = memref.load %arg8[%swap3A_83, %swap3A_84] : memref<1x1xf32, #tpu.memory_space<smem>>
      memref.store %reduce_sum3A_82, %arg8[%swap3A_83, %swap3A_84] : memref<1x1xf32, #tpu.memory_space<smem>>
    } else {
    }
    return
  }
  func.func @transform_0(%arg0: i32, %arg1: i32) -> i32 {
    %c0_i32 = arith.constant 0 : i32
    %c0_i32_0 = arith.constant 0 : i32
    return %c0_i32 : i32
  }
  func.func @transform_1(%arg0: i32, %arg1: i32) -> (i32, i32, i32) {
    %c0_i32 = arith.constant 0 : i32
    %c0_i32_0 = arith.constant 0 : i32
    return %arg0, %c0_i32, %arg1 : i32, i32, i32
  }
  func.func @transform_2(%arg0: i32, %arg1: i32) -> (i32, i32, i32) {
    %c0_i32 = arith.constant 0 : i32
    %c0_i32_0 = arith.constant 0 : i32
    return %arg0, %c0_i32, %arg1 : i32, i32, i32
  }
  func.func @transform_3(%arg0: i32, %arg1: i32) -> (i32, i32) {
    %c0_i32 = arith.constant 0 : i32
    %c0_i32_0 = arith.constant 0 : i32
    %c0_i32_1 = arith.constant 0 : i32
    return %c0_i32, %c0_i32_0 : i32, i32
  }
  func.func @transform_4(%arg0: i32, %arg1: i32) -> (i32, i32) {
    %c0_i32 = arith.constant 0 : i32
    %c0_i32_0 = arith.constant 0 : i32
    %c0_i32_1 = arith.constant 0 : i32
    return %c0_i32, %c0_i32_0 : i32, i32
  }
  func.func @transform_5(%arg0: i32, %arg1: i32) -> (i32, i32) {
    %c0_i32 = arith.constant 0 : i32
    %c0_i32_0 = arith.constant 0 : i32
    %c0_i32_1 = arith.constant 0 : i32
    return %c0_i32, %c0_i32_0 : i32, i32
  }
  func.func @transform_6(%arg0: i32, %arg1: i32) -> (i32, i32) {
    %c0_i32 = arith.constant 0 : i32
    %c0_i32_0 = arith.constant 0 : i32
    %c0_i32_1 = arith.constant 0 : i32
    return %c0_i32, %c0_i32_0 : i32, i32
  }
}

</mosaic_0001>

<sc_bundles>
// kernel: _run.4.cloned.1.call-start
scs
__scs_entry_jumppad:
0x0: {  	(pc) =	sbr.rel $0x88, $3  }
0x1: {  	(tag) =	ssettag $0x0;
	lr =	simm.s32 $0x1  }
0x2: {  	[smem:$0x3F9C] =	sst lr;
	_ =	strace $0xD0000000  }
0x3: {  	_ = 	snop  }
0x4: {  	_ = 	snop  }
0x5: {  	_ = 	snop  }
0x6: {  	_ = 	snop  }
0x7: {  	_ = 	snop  }
__scs_overlays_trampoline_lowered:
0x8: {  	[smem:$0x3FAB] =	sst s0  }
0x9: {  	[smem:$0x3FAC] =	sst s1  }
0xa: {  	[smem:$0x3FAD] =	sst s2  }
0xb: {  	[smem:$0x3FAE] =	sst s3  }
0xc: {  	[smem:$0x3FAF] =	sst s4  }
0xd: {  	[smem:$0x3FB0] =	sst s5  }
0xe: {  	[smem:$0x3FB1] =	sst s6  }
0xf: {  	[smem:$0x3FB2] =	sst s7  }
0x10: {  	[smem:$0x3FB3] =	sst s8  }
0x11: {  	[smem:$0x3FB4] =	sst s9;
	s0 =	simm.s32 @!p0 $0x0  }
0x12: {  	s1 =	sld [smem:$0x3F9A];
	s0 =	simm.s32 @p0 $0x1  }
0x13: {  	[smem:$0x3FB5] =	sst s0;
	s0 =	simm.s32 @!p1 $0x0  }
0x14: {  	s2 =	sld [smem:$0x3F99];
	s0 =	simm.s32 @p1 $0x1  }
0x15: {  	[smem:$0x3FB6] =	sst s0;
	s0 =	simm.s32 @!p2 $0x0  }
0x16: {  	s3 =	sld [smem:$0x3FDB];
	s0 =	simm.s32 @p2 $0x1  }
0x17: {  	s4 =	simm.s32 $0x1BF5;
	[smem:$0x3FB8] =	sst s0  }
0x18: {  	s0 =	sld [smem:$0x3F9B];
	_ =	swait.ge [sflag:s4], $0x0  }
0x19: {  	s7 =	sld [smem:$0x3F9C]  }
0x1a: {  	s8 =	sadd.s32 $0xFFFFE003, lr  }
0x1b: {  	s9 =	sadd.s32 $0xFFFFFEF7, lr;
	s5 =	simm.s32 $0xFFFFFFFF;
	p2 =	slt.u32 s8, $0xFFFFF086  }
0x1c: {  	p1 =	slt.u32 s9, $0xF7A;
	s5 =	simm.s32 @!p2 $0x0  }
0x1d: {  	s5 =	simm.s32 @p1 $0x1;
	p0 =	seq.s32 s7, s2  }
0x1e: {  	s7 =	smul.u32 @!p0 $0xF7A, s2;
	p2 =	seq.s32 @!p0 s5, $0x0  }
0x1f: {  	s9 =	smul.u32 $0xF7A, s1;
	s8 =	simm.s32 @!p0 $0x1BF5;
	p2 =	por !p2, p0  }
0x20: {  	[sflag:s8] =	ssyncset.s32 @!p0 $0xFFFFF086;
	s6 =	sadd.s32 @!p0 s3, s7;
	s7 =	simm.s32 @!p0 $0x108  }
0x21: {  	s3 =	sadd.s32 s3, s9;
	s6 =	sadd.s32 @!p0 $0x88, s6;
	s7 =	simm.s32 @p2 $0x1082  }
0x22: {  	[simem:s7], [sflag:s8] =	dma.local @!p0 [hbm:s6], $0xF7A  }
0x23: {  	s9 =	sor.u32 $0xD0000000, s2;
	s6 =	simm.s32 $0x108;
	_ =	swait.ge @!p0 [sflag:s8], $0x0  }
0x24: {  	s3 =	sadd.s32 $0x88, s3;
	s6 =	simm.s32 @!p1 $0x1082;
	[sflag:s4] =	ssyncset.s32 $0xFFFFF086  }
0x25: {  	[simem:s6], [sflag:s4] =	dma.local [hbm:s3], $0xF7A  }
0x26: {  	[smem:$0x3F9C] =	sst s1;
	(tag) =	ssettag s2;
	_ =	strace s9  }
0x27: {  	s1 =	sld [smem:$0x3FAC]  }
0x28: {  	s2 =	sld [smem:$0x3FAD]  }
0x29: {  	s4 =	sld [smem:$0x3FAF]  }
0x2a: {  	p0 =	seq.s32 s5, $0x0;
	s5 =	sld [smem:$0x3FB0]  }
0x2b: {  	s6 =	sld [smem:$0x3FB1]  }
0x2c: {  	s7 =	sld [smem:$0x3FB2]  }
0x2d: {  	s3 =	simm.s32 $0x108;
	s8 =	sld [smem:$0x3FB3]  }
0x2e: {  	s3 =	simm.s32 @!p0 $0x1082;
	s9 =	sld [smem:$0x3FB4]  }
0x2f: {  	lr =	sadd.s32 s0, s3;
	s0 =	sld [smem:$0x3FAB]  }
0x30: {  	s3 =	sld [smem:$0x3FAE]  }
0x31: {  	[smem:$0x3FB7] =	sst s10  }
0x32: {  	s10 =	sld [smem:$0x3FB5];
	_ =	sdelay $0x3  }
0x33: {  	p0 =	seq.s32 s10, $0x1;
	s10 =	sld [smem:$0x3FB7];
	_ =	sdelay $0x3  }
0x34: {  	[smem:$0x3FB7] =	sst s10  }
0x35: {  	s10 =	sld [smem:$0x3FB6];
	_ =	sdelay $0x3  }
0x36: {  	p1 =	seq.s32 s10, $0x1;
	s10 =	sld [smem:$0x3FB7];
	_ =	sdelay $0x3  }
0x37: {  	[smem:$0x3FB7] =	sst s10  }
0x38: {  	s10 =	sld [smem:$0x3FB8]  }
0x39: {  	_ = 	snop;
	(pc) =	sbr.ind lr, $3  }
0x3a: {  	_ = 	snop  }
0x3b: {  	_ = 	snop  }
0x3c: {  	p2 =	seq.s32 s10, $0x1;
	s10 =	sld [smem:$0x3FB7]  }
0x3d: {  	_ =	shalt  }
0x3e: {  	_ =	shalt  }
0x3f: {  	_ =	shalt  }
0x40: {  	_ =	shalt  }
0x41: {  	_ =	shalt  }
0x42: {  	_ =	shalt  }
0x43: {  	_ =	shalt  }
0x44: {  	_ =	shalt  }
0x45: {  	_ =	shalt  }
0x46: {  	_ =	shalt  }
0x47: {  	_ =	shalt  }
0x48: {  	_ =	shalt  }
0x49: {  	_ =	shalt  }
0x4a: {  	_ =	shalt  }
0x4b: {  	_ =	shalt  }
0x4c: {  	_ =	shalt  }
0x4d: {  	_ =	shalt  }
0x4e: {  	_ =	shalt  }
0x4f: {  	_ =	shalt  }
0x50: {  	_ =	shalt  }
0x51: {  	_ =	shalt  }
0x52: {  	_ =	shalt  }
0x53: {  	_ =	shalt  }
0x54: {  	_ =	shalt  }
0x55: {  	_ =	shalt  }
0x56: {  	_ =	shalt  }
0x57: {  	_ =	shalt  }
0x58: {  	_ =	shalt  }
0x59: {  	_ =	shalt  }
0x5a: {  	_ =	shalt  }
0x5b: {  	_ =	shalt  }
0x5c: {  	_ =	shalt  }
0x5d: {  	_ =	shalt  }
0x5e: {  	_ =	shalt  }
0x5f: {  	_ =	shalt  }
0x60: {  	_ =	shalt  }
0x61: {  	_ =	shalt  }
0x62: {  	_ =	shalt  }
0x63: {  	_ =	shalt  }
0x64: {  	_ =	shalt  }
0x65: {  	_ =	shalt  }
0x66: {  	_ =	shalt  }
0x67: {  	_ =	shalt  }
0x68: {  	_ =	shalt  }
0x69: {  	_ =	shalt  }
0x6a: {  	_ =	shalt  }
0x6b: {  	_ =	shalt  }
0x6c: {  	_ =	shalt  }
0x6d: {  	_ =	shalt  }
0x6e: {  	_ =	shalt  }
0x6f: {  	_ =	shalt  }
0x70: {  	_ =	shalt  }
0x71: {  	_ =	shalt  }
0x72: {  	_ =	shalt  }
0x73: {  	_ =	shalt  }
0x74: {  	_ =	shalt  }
0x75: {  	_ =	shalt  }
0x76: {  	_ =	shalt  }
0x77: {  	_ =	shalt  }
0x78: {  	_ =	shalt  }
0x79: {  	_ =	shalt  }
0x7a: {  	_ =	shalt  }
0x7b: {  	_ =	shalt  }
0x7c: {  	_ =	shalt  }
0x7d: {  	_ =	shalt  }
0x7e: {  	_ =	shalt  }
0x7f: {  	_ =	shalt  }
0x80: {  	_ =	shalt  }
0x81: {  	_ =	shalt  }
0x82: {  	_ =	shalt  }
0x83: {  	_ =	shalt  }
0x84: {  	_ =	shalt  }
0x85: {  	_ =	shalt  }
0x86: {  	_ =	shalt  }
0x87: {  	_ =	shalt  }
.Lfunc_end0:
.L_simem_size_0:
called_computation_lowered:
.L_overlay_start_0:
0x88: {  	s2 =	sld [smem:$0x3FD9]  }
0x89: {  	s3 =	sld [smem:$0x3FFE];
	_ =	sdelay $0x1  }
0x8a: {  	s1 =	srdreg.scid  }
0x8b: {  	s0 =	sand.u32 $0x1, s1  }
0x8c: {  	s17 =	sshll.u32 s0, $0xA;
	s2 =	sadd.s32 s3, s2  }
0x8d: {  	s2 =	sadd.s32 s2, s17  }
0x8e: {  	[smem:$0x3FC3] =	sst s2  }
0x8f: {  	_ = 	snop  }
0x90: {  	s2 =	sld [smem:$0x3FC9]  }
0x91: {  	s18 =	sld [smem:$0x3FC8]  }
0x92: {  	s4 =	sld [smem:$0x3FC7]  }
0x93: {  	s5 =	sld [smem:$0x3FC6]  }
0x94: {  	s6 =	sld [smem:$0x3FC5];
	(tm) =	ssettm $0x1  }
0x95: {  	s7 =	sld [smem:$0x3FFB];
	_ =	sdelay $0x3  }
0x96: {  	_ =	strace s7  }
0x97: {  	s7 =	sld [smem:$0x3FFC];
	_ =	sdelay $0x3  }
0x98: {  	_ =	strace s7  }
0x99: {  	s7 =	sld [smem:$0x3FFD];
	_ =	sdelay $0x3  }
0x9a: {  	_ =	strace s7  }
0x9b: {  	_ =	strace $0x8FFFFFFF  }
0x9c: {  	s19 =	sld [smem:$0x3FDB];
	_ =	sdelay $0x1  }
0x9d: {  	s8 =	simm.s32 $_scs_section_size  }
0x9e: {  	s9 =	simm.s32 $_size__tile_overlayer_lowered;
	s10 =	simm.s32 $_tile_overlayer_lowered  }
0x9f: {  	s22 =	simm.s32 $0x1BFF;
	s21 =	sshll.u32 s10, $0x1;
	s7 =	sadd.s32 s8, s19  }
0xa0: {  	s11 =	simm.s32 $0x0;
	s20 =	sshll.u32 s9, $0x1;
	s9 =	sadd.s32 s21, s7  }
0xa1: {  	[timem:s11], [sflag:s22] =	dma.local [hbm:s9], s20  }
0xa2: {  	_ =	swait.ge [sflag:s22], s20  }
0xa3: {  	s8 =	ssub.s32 $0x0, s20;
	[sflag:s22] =	ssyncset.done $0x0  }
0xa4: {  	[sflag:s22] =	ssyncadd.s32 s8;
	_ =	sdelay $0x1  }
0xa5: {  	s23 =	simm.s32 $0x1B8B  }
0xa6: {  	_ =	swait.ge [sflag:s23], $0x1  }
0xa7: {  	[sflag:s23] =	ssyncset.done $0x0  }
0xa8: {  	s25 =	simm.s32 $0x1B8E;
	s24 =	sld [smem:$0x3FFE];
	[sflag:s23] =	ssyncadd.s32 $0xFFFFFFFF  }
0xa9: {  	s26 =	simm.s32 $execute0_lowered;
	[smem:$0x3FD2] =	sst s25  }
0xaa: {  	s9 =	sshll.u32 s26, $0x1;
	_ =	strace $0x80000046;
	[dreg:$0x1] =	wrdreg $0xFFFFFFFF  }
0xab: {  	s28 =	simm.s32 $_size_execute0_lowered;
	s7 =	sadd.s32 s7, s9;
	[dreg:$0x0] =	wrdreg $0x0  }
0xac: {  	s9 =	sshll.u32 s28, $0x1;
	[dreg:$0x2] =	wrdreg s7  }
0xad: {  	[dreg:$0x3] =	wrdreg s9  }
0xae: {  	[dreg:$0x4] =	wrdreg $0xC0  }
0xaf: {  	_ =	task [dreg:s11], $0x5FFFF  }
0xb0: {  	[dreg:$0x1] =	wrdreg $0xFFFFFFFF  }
0xb1: {  	[dreg:$0x0] =	wrdreg $0x60  }
0xb2: {  	[dreg:$0x2] =	wrdreg s2  }
0xb3: {  	[dreg:$0x3] =	wrdreg s18  }
0xb4: {  	[dreg:$0x4] =	wrdreg s4  }
0xb5: {  	[dreg:$0x5] =	wrdreg s5  }
0xb6: {  	[dreg:$0x6] =	wrdreg s6  }
0xb7: {  	[dreg:$0x7] =	wrdreg s24  }
0xb8: {  	[dreg:$0x8] =	wrdreg $0x9  }
0xb9: {  	_ =	task.clear_ibuf [dreg:s11], $0x9FFFF;
	_ =	strace $0x90000046  }
0xba: {  	s29 =	simm.s32 $0x9;
	_ =	strace $0x80000048  }
0xbb: {  	_ =	swait.ge [sflag:s29], $0x1  }
0xbc: {  	[sflag:s29] =	ssyncadd.s32 $0xFFFFFFFF  }
0xbd: {  	_ =	strace $0x90000048  }
0xbe: {  	_ =	sfence  }
0xbf: {  	s30 =	sld [smem:$0x0];
	_ =	sdelay $0x2  }
0xc0: {  	s31 =	sshll.u32 s1, $0xD;
	s1 =	sshrl.u32 s1, $0x2  }
0xc1: {  	s3 =	sand.u32 $0x4000, s31;
	s1 =	sadd.s32 s1, s30  }
0xc2: {  	s0 =	sor.u32 s3, s0;
	s1 =	sshll.u32 s1, $0x11  }
0xc3: {  	s0 =	sor.u32 s1, s0  }
0xc4: {  	s0 =	sadd.s32 $0x8F2B, s0  }
0xc5: {  	[sflag:s0] =	ssyncadd.remote.s32 $0x1  }
0xc6: {  	_ =	sfence.sel $0xFFFF  }
0xc7: {  	[dreg:$0x0] =	wrdreg $0xFFFFFFFF;
	(pc) =	sbr.abs _section_cstart, $3  }
0xc8: {  	[dreg:$0x1] =	wrdreg $0xFFFFFFFF  }
0xc9: {  	_ =	task.clear_ibuf [dreg:s11], $0x2FFFF;
	_ =	strace $0x9FFFFFFF  }
0xca: {  	(tm) =	ssettm $0x7FFFFFFF  }
0xcb: {  	_ =	shalt  }
tec
execute0_lowered:
.L_overlay_start_1:
0x0: {  	(tag) =	ssettag $0x1  }
0x1: {  	s0 =	rddreg [dreg:$0x1]  }
0x2: {  	s1 =	rddreg [dreg:$0x2]  }
0x3: {  	s2 =	rddreg [dreg:$0x3]  }
0x4: {  	s5 =	rddreg [dreg:$0x4]  }
0x5: {  	s3 =	srdreg.scid;
	s9 =	stileid.u32  }
0x6: {  	s4 =	rddreg [dreg:$0x5];
	s17 =	simm.s32 $0x3;
	s18 =	simm.s32 $0x800  }
0x7: {  	s19 =	simm.s32 $0x8000;
	s20 =	simm.s32 $0x80;
	s21 =	simm.s32 $0x400  }
0x8: {  	s29 =	simm.s32 $0x1;
	s30 =	simm.s32 $0x2;
	s6 =	sand.u32 $0x1, s3  }
0x9: {  	s7 =	sshll.u32 s9, $0x1;
	s3 =	simm.s32 $0x0;
	s24 =	sshrl.u32 s9, $0x2  }
0xa: {  	s7 =	sor.u32 s6, s7;
	[smem:$0x7FF] =	sst s3;
	s6 =	ssub.s32 $0x2, s6  }
0xb: {  	s9 =	sor.u32 $0xC, s24;
	s8 =	sshll.u32 s7, $0x2;
	_ =	strace $0x80000047  }
0xc: {  	s7 =	sand.u32 $0x7, s7;
	s10 =	sshrl.u32 s6, $0x1;
	s11 =	sshll.u32 s9, $0x7  }
0xd: {  	s12 =	sshll.u32 s9, $0xF;
	s8 =	sadd.s32 s8, s4;
	s4 =	sshll.u32 s7, $0x9  }
0xe: {  	s7 =	sshll.u32 s7, $0xC;
	s11 =	sand.u32 $0x380, s11;
	s6 =	ssub.s32 s6, s10  }
0xf: {  	s25 =	sor.u32 s12, s4;
	s7 =	sor.u32 s11, s7;
	s11 =	sshrl.u32 s11, $0x3  }
0x10: {  	s14 =	sadd.s32 $0x600, s8;
	s15 =	smax.u32 s6, $0x1;
	s13 =	sadd.s32 s0, s25  }
0x11: {  	s10 =	sadd.s32 s1, s25;
	s7 =	sshrl.u32 s7, $0x3;
	[dreg:$0x7] =	wrdreg s13  }
0x12: {  	s11 =	sor.u32 s11, s4;
	[dreg:$0x8] =	wrdreg s10;
	s26 =	sor.u32 $0x1000, s7  }
0x13: {  	s7 =	sor.u32 $0x100, s4;
	s31 =	sor.u32 $0x1100, s11;
	s28 =	sadd.s32 s2, s26  }
0x14: {  	s12 =	sor.u32 s12, s7;
	s10 =	sadd.s32 s5, s26;
	[dreg:$0x9] =	wrdreg s28  }
0x15: {  	s13 =	sadd.s32 s5, s31;
	[dreg:$0xa] =	wrdreg s10;
	s10 =	sadd.s32 s0, s12  }
0x16: {  	v1 =	vlaneseq.u32;
	v0 =	vmov s9;
	s11 =	sadd.s32 s1, s12;
	s12 =	sadd.s32 s2, s31;
	s2 =	simm.s32 $0x0  }
.LBB2_1:
0x17: {  	s0 =	rddreg [dreg:$0x0];
	s1 =	simm.s32 $0x10400  }
0x18: {  	[tilespmem:s1], [sflag:$0x3] =	stream.linear.gather [hbm4b:s0+s3], $0x80, $0x38;
	[tilespmem:$0x10500] =	vst v63  }
0x19: {  	_ =	swait.ge [sflag:s17], $0x80  }
0x1a: {  	[sflag:s17] =	ssyncset.done $0x0  }
0x1b: {  	s8 =	rddreg [dreg:$0x7];
	[sflag:s17] =	ssyncadd.s32 $0xFFFFFF80  }
0x1c: {  	v2 =	vld [tilespmem:$0x10400];
	[tilespmem:s3], [sflag:$0x1] =	stream.strided.gather [hbm4b:s8+s18], $0x4000, s19, s18, $0x38  }
0x1d: {  	s9 =	rddreg [dreg:$0x8]  }
0x1e: {  	[tilespmem:s19], [sflag:$0x1] =	stream.strided.gather [hbm4b:s9+s18], $0x4000, s19, s18, $0x38;
	[tilespmem:$0x10500] =	vst v63  }
0x1f: {  	s22 =	simm.s32 $0x10000;
	s16 =	rddreg [dreg:$0x9]  }
0x20: {  	[tilespmem:s22], [sflag:$0x1] =	stream.strided.gather [hbm4b:s16+s20], $0x100, s21, s20, $0x38;
	[tilespmem:$0x10500] =	vst v63  }
0x21: {  	s24 =	simm.s32 $0x10200;
	s23 =	rddreg [dreg:$0xa]  }
0x22: {  	[tilespmem:s24], [sflag:$0x1] =	stream.strided.gather [hbm4b:s23+s20], $0x100, s21, s20, $0x38;
	[tilespmem:$0x10500] =	vst v63  }
0x23: {  	s25 =	simm.s32 $0x4000  }
0x24: {  	[tilespmem:s25], [sflag:$0x2] =	stream.strided.gather [hbm4b:s10+s18], $0x4000, s19, s18, $0x38;
	[tilespmem:$0x10500] =	vst v63  }
0x25: {  	s26 =	simm.s32 $0xC000  }
0x26: {  	[tilespmem:s26], [sflag:$0x2] =	stream.strided.gather [hbm4b:s11+s18], $0x4000, s19, s18, $0x38;
	[tilespmem:$0x10500] =	vst v63  }
0x27: {  	s28 =	simm.s32 $0x10100  }
0x28: {  	[tilespmem:s28], [sflag:$0x2] =	stream.strided.gather [hbm4b:s12+s20], $0x100, s21, s20, $0x38;
	[tilespmem:$0x10500] =	vst v63  }
0x29: {  	s31 =	simm.s32 $0x10300  }
0x2a: {  	[tilespmem:s31], [sflag:$0x2] =	stream.strided.gather [hbm4b:s13+s20], $0x100, s21, s20, $0x38;
	[tilespmem:$0x10500] =	vst v63  }
0x2b: {  	_ =	swait.ge [sflag:s29], $0x4000  }
0x2c: {  	[sflag:s29] =	ssyncset.done $0x0  }
0x2d: {  	[sflag:s29] =	ssyncadd.s32 $0xFFFFC000  }
0x2e: {  	_ =	swait.ge [sflag:s29], $0x4000  }
0x2f: {  	[sflag:s29] =	ssyncset.done $0x0  }
0x30: {  	[sflag:s29] =	ssyncadd.s32 $0xFFFFC000  }
0x31: {  	_ =	swait.ge [sflag:s29], $0x100  }
0x32: {  	[sflag:s29] =	ssyncset.done $0x0  }
0x33: {  	[sflag:s29] =	ssyncadd.s32 $0xFFFFFF00  }
0x34: {  	_ =	swait.ge [sflag:s29], $0x100  }
0x35: {  	v7 =	vimm.f32 $0.0e+00;
	v3 =	vimm.f32 $0.0e+00;
	v8 =	vimm.f32 $0.0e+00;
	s1 =	simm.s32 $0x0;
	s0 =	simm.s32 $0x0;
	[sflag:s29] =	ssyncset.done $0x0  }
0x36: {  	v4 =	vimm.f32 $0.0e+00;
	v9 =	vimm.f32 $0.0e+00;
	s16 =	simm.s32 $0x0;
	s22 =	simm.s32 $0x0;
	v2 =	vperm.xlane v2, v0;
	[sflag:s29] =	ssyncadd.s32 $0xFFFFFF00  }
.LBB2_2:
0x37: {  	s5 =	sshll.u32 s0, $0x2;
	s23 =	sshll.u32 s22, $0x4;
	s6 =	sshll.u32 s22, $0x7  }
0x38: {  	s8 =	sand.u32 $0x7, s1;
	s9 =	simm.s32 $0x0;
	s6 =	sor.u32 s23, s6  }
0x39: {  	s5 =	sand.u32 $0xFFFFF000, s5;
	s8 =	sshll.u32 s8, $0x6;
	s24 =	sor.u32 $0x380, s6  }
0x3a: {  	s5 =	sor.u32 s8, s5;
	s6 =	sor.u32 s24, s9  }
0x3b: {  	s5 =	sshrl.u32 s5, $0x2;
	v5 =	vld [tilespmem:s6+$0x0]  }
0x3c: {  	s8 =	sor.u32 $0x200, s5;
	v6 =	vld [tilespmem:s6+$0x8000]  }
0x3d: {  	s5 =	sadd.s32 $0x8200, s5;
	v10 =	vld [tilespmem:s8+$0x100]  }
0x3e: {  	v11 =	vld [tilespmem:s5+$0x100]  }
0x3f: {  	s25 =	sand.u32 $0xFFFFFC00, s0;
	v19 =	vld [tilespmem:s8+$0xFFFFFF00]  }
0x40: {  	s25 =	sadd.s32 s25, s16;
	v21 =	vld [tilespmem:s5+$0xFFFFFF00]  }
0x41: {  	s6 =	sadd.s32 $0x0, s25;
	v22 =	vld [tilespmem:s8+$0x0]  }
0x42: {  	s9 =	sor.u32 $0x280, s6;
	v23 =	vld [tilespmem:s5+$0x0]  }
0x43: {  	v12 =	vld [tilespmem:s9+$0x0]  }
0x44: {  	s26 =	sor.u32 $0x80, s6;
	v13 =	vld [tilespmem:s9+$0x8000]  }
0x45: {  	v15 =	vld [tilespmem:s26+$0x0]  }
0x46: {  	s6 =	sor.u32 $0x180, s6;
	v16 =	vld [tilespmem:s26+$0x8000]  }
0x47: {  	v17 =	vld [tilespmem:s6+$0x0]  }
0x48: {  	v18 =	vld [tilespmem:s6+$0x8000];
	_ =	sdelay $0x1  }
0x49: {  	v14 =	vld [tilespmem:s5+$0xFFFFFE00];
	s26 =	simm.s32 $0x800;
	v5 =	vmul.f32 v6, v5;
	v11 =	vmul.f32 v11, v10  }
0x4a: {  	v20 =	vld [tilespmem:s8+$0xFFFFFE00];
	s6 =	sor.u32 s24, s26;
	s26 =	sadd.s32 $0x800, s8;
	v22 =	vmul.f32 v23, v22;
	v12 =	vmul.f32 v13, v12  }
0x4b: {  	v13 =	vmul.f32 v16, v15;
	v15 =	vmul.f32 v21, v19;
	v19 =	vld [tilespmem:s26+$0x100]  }
0x4c: {  	v6 =	vadd.f32 v5, v7;
	v10 =	vadd.f32 v12, v7;
	v12 =	vmul.f32 v18, v17;
	v17 =	vld [tilespmem:s6+$0x0]  }
0x4d: {  	s28 =	sadd.s32 $0x800, s5;
	v16 =	vimm.f32 $0.0e+00;
	v5 =	vadd.f32 v11, v7;
	v11 =	vadd.f32 v13, v7;
	v18 =	vld [tilespmem:s6+$0x8000];
	s6 =	sadd.s32 $0x800, s25  }
0x4e: {  	s31 =	simm.s32 $0x1000;
	v21 =	vld [tilespmem:s28+$0x100];
	v13 =	vadd.f32 v15, v7;
	v15 =	vimm.f32 $0.0e+00;
	s5 =	sor.u32 $0x80, s6;
	s8 =	sor.u32 $0x280, s6;
	v12 =	vadd.f32 v12, v7  }
.LBB2_3:
0x4f: {  	p0 =	sne.s32 s31, $0x3800;
	s6 =	sor.u32 $0x180, s6;
	v23 =	vld [tilespmem:s8+$0x0];
	v14 =	vmul.f32 v14, v20  }
0x50: {  	v20 =	vld [tilespmem:s8+$0x8000];
	v16 =	vadd.f32 v22, v16  }
0x51: {  	v22 =	vld [tilespmem:s5+$0x0];
	v15 =	vadd.f32 v14, v15  }
0x52: {  	v24 =	vld [tilespmem:s5+$0x8000]  }
0x53: {  	v25 =	vld [tilespmem:s6+$0x0]  }
0x54: {  	v17 =	vmul.f32 v18, v17;
	v26 =	vld [tilespmem:s6+$0x8000]  }
0x55: {  	v19 =	vmul.f32 v21, v19;
	v14 =	vld [tilespmem:s28+$0xFFFFFE00];
	v18 =	vmul.f32 v20, v23  }
0x56: {  	v6 =	vadd.f32 v17, v6;
	v21 =	vld [tilespmem:s26+$0xFFFFFF00]  }
0x57: {  	v5 =	vadd.f32 v19, v5;
	v17 =	vmul.f32 v24, v22;
	v22 =	vld [tilespmem:s28+$0xFFFFFF00];
	v10 =	vadd.f32 v18, v10  }
0x58: {  	v23 =	vld [tilespmem:s26+$0x0]  }
0x59: {  	v11 =	vadd.f32 v17, v11;
	v18 =	vmul.f32 v26, v25;
	v24 =	vld [tilespmem:s28+$0x0]  }
.Ltmp0:
0x5a: {  	s5 =	sor.u32 s24, s31;
	v20 =	vld [tilespmem:s26+$0xFFFFFE00];
	(pc) =	sbr.rel @p0 .LBB2_3-.Ltmp0, $4  }
0x5b: {  	v17 =	vld [tilespmem:s5+$0x0];
	v12 =	vadd.f32 v18, v12  }
0x5c: {  	s26 =	sadd.s32 $0x800, s26;
	v18 =	vld [tilespmem:s5+$0x8000];
	v22 =	vmul.f32 v22, v21  }
0x5d: {  	s6 =	sadd.s32 s31, s25;
	s28 =	sadd.s32 $0x800, s28;
	v19 =	vld [tilespmem:s26+$0x100]  }
0x5e: {  	s31 =	sadd.s32 $0x800, s31;
	s8 =	sor.u32 $0x280, s6;
	s5 =	sor.u32 $0x80, s6;
	v21 =	vld [tilespmem:s28+$0x100];
	v13 =	vadd.f32 v22, v13;
	v22 =	vmul.f32 v24, v23  }
0x5f: {  	v23 =	vld [tilespmem:s8+$0x0]  }
0x60: {  	v24 =	vld [tilespmem:s8+$0x8000]  }
0x61: {  	v25 =	vld [tilespmem:s5+$0x0]  }
0x62: {  	v26 =	vld [tilespmem:s5+$0x8000]  }
0x63: {  	v29 =	vld [tilespmem:s28+$0xFFFFFE00]  }
0x64: {  	v30 =	vld [tilespmem:s26+$0xFFFFFF00]  }
0x65: {  	v31 =	vld [tilespmem:s28+$0xFFFFFF00]  }
0x66: {  	v32 =	vld [tilespmem:s26+$0x0]  }
0x67: {  	v33 =	vld [tilespmem:s26+$0xFFFFFE00]  }
0x68: {  	s6 =	sor.u32 $0x180, s6;
	v54 =	vld [tilespmem:s28+$0x0]  }
0x69: {  	v27 =	vld [tilespmem:s6+$0x0]  }
0x6a: {  	v14 =	vmul.f32 v14, v20;
	v28 =	vld [tilespmem:s6+$0x8000]  }
0x6b: {  	v16 =	vadd.f32 v22, v16;
	v17 =	vmul.f32 v18, v17  }
0x6c: {  	v14 =	vadd.f32 v14, v15;
	v56 =	vmul.f32 v21, v19;
	v55 =	vmul.f32 v24, v23  }
0x6d: {  	v6 =	vadd.f32 v17, v6;
	v57 =	vmul.f32 v26, v25;
	v59 =	vmul.f32 v31, v30  }
0x6e: {  	v60 =	vmul.f32 v29, v33;
	v61 =	vmul.f32 v54, v32;
	v5 =	vadd.f32 v56, v5  }
0x6f: {  	v58 =	vmul.f32 v28, v27;
	v10 =	vadd.f32 v55, v10;
	v11 =	vadd.f32 v57, v11  }
0x70: {  	v13 =	vadd.f32 v59, v13;
	v14 =	vadd.f32 v60, v14  }
0x71: {  	v62 =	vadd.f32 v61, v16;
	v12 =	vadd.f32 v58, v12  }
0x72: {  	v5 =	vadd.f32 v6, v5;
	v11 =	vadd.f32 v11, v14  }
0x73: {  	v10 =	vadd.f32 v10, v62;
	v12 =	vadd.f32 v12, v13;
	_ =	sdelay $0x1  }
0x74: {  	v5 =	vadd.f32 v5, v10;
	v6 =	vadd.f32 v12, v11;
	_ =	sdelay $0x1  }
0x75: {  	v5 =	vadd.f32 v5, v6;
	_ =	sdelay $0x1  }
0x76: {  	v5 =	vmul.f32 $2.000000000e+01, v5;
	_ =	sdelay $0x1  }
0x77: {  	v6 =	vand.u32 $0x7FFFFFFF, v5  }
0x78: {  	v6 =	vsub.f32 $0.0e+00, v6;
	_ =	sdelay $0x1  }
0x79: {  	v6 =	vmul.f32 $1.442695020e+00, v6;
	_ =	sdelay $0x1  }
0x7a: {  	(erf) = vpow2.f32 v6;
	_ =	sdelay $0x8  }
0x7b: {  	v6 =	vpop (erf)  }
0x7c: {  	v10 =	vadd.f32 $2.000000000e+00, v6;
	_ =	sdelay $0x1  }
0x7d: {  	(erf) = vrcp.f32 v10;
	_ =	sdelay $0x8  }
0x7e: {  	v10 =	vpop (erf)  }
0x7f: {  	v6 =	vmul.f32 v10, v6;
	_ =	sdelay $0x1  }
0x80: {  	v10 =	vmul.f32 v6, v6;
	_ =	sdelay $0x1  }
0x81: {  	v11 =	vmul.f32 $1.111111120e-01, v10;
	_ =	sdelay $0x1  }
0x82: {  	v11 =	vadd.f32 $1.428571490e-01, v11;
	_ =	sdelay $0x1  }
0x83: {  	v11 =	vmul.f32 v11, v10;
	_ =	sdelay $0x1  }
0x84: {  	v11 =	vadd.f32 $2.000000030e-01, v11;
	_ =	sdelay $0x1  }
0x85: {  	v11 =	vmul.f32 v11, v10  }
0x86: {  	v63 =	vld [tilespmem:s23+$0x10200]  }
0x87: {  	v11 =	vadd.f32 $3.333333430e-01, v11;
	_ =	sdelay $0x1  }
0x88: {  	v10 =	vmul.f32 v11, v10;
	_ =	sdelay $0x1  }
0x89: {  	v12 =	vmul.f32 v63, v5;
	v6 =	vadd.f32 v6, v6;
	v11 =	vld [tilespmem:s23+$0x10000];
	v10 =	vadd.f32 $1.000000000e+00, v10  }
0x8a: {  	v5 =	vmax.f32 v5, $0.0e+00  }
0x8b: {  	s31 =	sor.u32 s4, s23;
	v5 =	vsub.f32 v5, v12;
	v6 =	vmul.f32 v10, v6  }
0x8c: {  	v10 =	vor.u32 s31, v1  }
0x8d: {  	vm0 =	vlt.s32 v10, v2;
	v5 =	vadd.f32 v5, v6  }
0x8e: {  	v6 =	vnsel vm0, $0x0, v11  }
0x8f: {  	v5 =	vmul.f32 v5, v6;
	_ =	sdelay $0x1  }
0x90: {  	v3 =	vsub.f32 v6, v3;
	v4 =	vsub.f32 v5, v4;
	_ =	sdelay $0x1  }
0x91: {  	s22 =	sadd.s32 $0x1, s22;
	v5 =	vadd.f32 v3, v8;
	v6 =	vadd.f32 v4, v9  }
0x92: {  	p0 =	sne.s32 s22, $0x10  }
.Ltmp1:
0x93: {  	v8 =	vsub.f32 v5, v8;
	v9 =	vsub.f32 v6, v9;
	(pc) =	sbr.rel @p0 .LBB2_2-.Ltmp1, $2  }
0x94: {  	_ =	sdelay $0x2  }
0x95: {  	s16 =	sadd.s32 $0x10, s16;
	s0 =	sadd.s32 $0x80, s0;
	s1 =	sadd.s32 $0x1, s1;
	v3 =	vsub.f32 v8, v3;
	v4 =	vsub.f32 v9, v4;
	v8 =	vmovc v5;
	v9 =	vmov v6  }
0x96: {  	_ =	swait.ge [sflag:s30], $0x4000  }
0x97: {  	[sflag:s30] =	ssyncset.done $0x0  }
0x98: {  	[sflag:s30] =	ssyncadd.s32 $0xFFFFC000  }
0x99: {  	_ =	swait.ge [sflag:s30], $0x4000  }
0x9a: {  	[sflag:s30] =	ssyncset.done $0x0  }
0x9b: {  	[sflag:s30] =	ssyncadd.s32 $0xFFFFC000  }
0x9c: {  	_ =	swait.ge [sflag:s30], $0x100  }
0x9d: {  	[sflag:s30] =	ssyncset.done $0x0  }
0x9e: {  	[sflag:s30] =	ssyncadd.s32 $0xFFFFFF00  }
0x9f: {  	s0 =	simm.s32 $0x0;
	_ =	swait.ge [sflag:s30], $0x100  }
0xa0: {  	s1 =	simm.s32 $0x0;
	s16 =	simm.s32 $0x0;
	[sflag:s30] =	ssyncset.done $0x0  }
0xa1: {  	s22 =	simm.s32 $0x0;
	s23 =	simm.s32 $0x0;
	[sflag:s30] =	ssyncadd.s32 $0xFFFFFF00  }
.LBB2_6:
0xa2: {  	s24 =	sshll.u32 s23, $0x4;
	s5 =	sshll.u32 s23, $0x7  }
0xa3: {  	s6 =	sshll.u32 s16, $0x2;
	s8 =	sand.u32 $0x7, s1;
	s5 =	sor.u32 s24, s5  }
0xa4: {  	s26 =	sand.u32 $0xFFFFFC00, s16;
	s6 =	sand.u32 $0xFFFFF000, s6;
	s25 =	sor.u32 $0x380, s5  }
0xa5: {  	s8 =	sshll.u32 s8, $0x6;
	s26 =	sadd.s32 s26, s22;
	s9 =	sor.u32 s25, s0  }
0xa6: {  	s8 =	sor.u32 s8, s6;
	s6 =	sadd.s32 $0x0, s26;
	v7 =	vld [tilespmem:s9+$0x4000]  }
0xa7: {  	s28 =	sor.u32 $0x80, s6;
	v8 =	vld [tilespmem:s9+$0xC000]  }
0xa8: {  	s5 =	sshrl.u32 s8, $0x2;
	v13 =	vld [tilespmem:s28+$0x4000]  }
0xa9: {  	s8 =	sadd.s32 $0x4200, s5;
	v15 =	vld [tilespmem:s28+$0xC000]  }
0xaa: {  	s5 =	sadd.s32 $0xC200, s5;
	v9 =	vld [tilespmem:s8+$0x100]  }
0xab: {  	s9 =	sor.u32 $0x280, s6;
	v10 =	vld [tilespmem:s5+$0x100]  }
0xac: {  	v11 =	vld [tilespmem:s9+$0x4000]  }
0xad: {  	s6 =	sor.u32 $0x180, s6;
	v12 =	vld [tilespmem:s9+$0xC000]  }
0xae: {  	v16 =	vld [tilespmem:s6+$0x4000]  }
0xaf: {  	v17 =	vld [tilespmem:s6+$0xC000]  }
0xb0: {  	v19 =	vld [tilespmem:s8+$0xFFFFFF00]  }
0xb1: {  	v20 =	vld [tilespmem:s5+$0xFFFFFF00]  }
0xb2: {  	v21 =	vld [tilespmem:s8+$0x0]  }
0xb3: {  	v22 =	vld [tilespmem:s5+$0x0]  }
0xb4: {  	v14 =	vld [tilespmem:s5+$0xFFFFFE00];
	s9 =	simm.s32 $0x800;
	v7 =	vmul.f32 v8, v7  }
0xb5: {  	v18 =	vld [tilespmem:s8+$0xFFFFFE00];
	s6 =	sor.u32 s25, s9;
	v13 =	vmul.f32 v15, v13;
	v11 =	vmul.f32 v12, v11  }
0xb6: {  	v8 =	vimm.f32 $0.0e+00;
	v12 =	vmul.f32 v10, v9;
	v15 =	vmul.f32 v17, v16;
	v16 =	vld [tilespmem:s6+$0x4000]  }
0xb7: {  	s28 =	sadd.s32 $0x800, s8;
	v17 =	vld [tilespmem:s6+$0xC000];
	v23 =	vmul.f32 v20, v19;
	v9 =	vadd.f32 v7, v8;
	v10 =	vadd.f32 v11, v8  }
0xb8: {  	s8 =	sadd.s32 $0x800, s26;
	s31 =	sadd.s32 $0x800, s5;
	v19 =	vld [tilespmem:s28+$0x100];
	v21 =	vmul.f32 v22, v21;
	v7 =	vadd.f32 v12, v8;
	v11 =	vadd.f32 v13, v8  }
0xb9: {  	s5 =	simm.s32 $0x1000;
	s9 =	sor.u32 $0x280, s8;
	s6 =	sor.u32 $0x80, s8;
	v20 =	vld [tilespmem:s31+$0x100];
	v12 =	vadd.f32 v15, v8;
	v13 =	vadd.f32 v23, v8;
	v15 =	vimm.f32 $0.0e+00  }
.LBB2_7:
0xba: {  	p0 =	sne.s32 s5, $0x3800;
	s8 =	sor.u32 $0x180, s8;
	v22 =	vld [tilespmem:s9+$0x4000];
	v14 =	vmul.f32 v14, v18  }
0xbb: {  	v18 =	vld [tilespmem:s9+$0xC000];
	v8 =	vadd.f32 v21, v8  }
0xbc: {  	v21 =	vld [tilespmem:s6+$0x4000];
	v15 =	vadd.f32 v14, v15  }
0xbd: {  	v23 =	vld [tilespmem:s6+$0xC000]  }
0xbe: {  	v24 =	vld [tilespmem:s8+$0x4000]  }
0xbf: {  	v16 =	vmul.f32 v17, v16;
	v25 =	vld [tilespmem:s8+$0xC000]  }
0xc0: {  	v14 =	vld [tilespmem:s31+$0xFFFFFE00];
	v17 =	vmul.f32 v18, v22;
	v18 =	vmul.f32 v20, v19  }
0xc1: {  	v9 =	vadd.f32 v16, v9;
	v19 =	vld [tilespmem:s28+$0xFFFFFF00]  }
0xc2: {  	v16 =	vmul.f32 v23, v21;
	v20 =	vld [tilespmem:s31+$0xFFFFFF00];
	v10 =	vadd.f32 v17, v10;
	v7 =	vadd.f32 v18, v7  }
0xc3: {  	v21 =	vld [tilespmem:s28+$0x0]  }
0xc4: {  	v11 =	vadd.f32 v16, v11;
	v17 =	vmul.f32 v25, v24;
	v22 =	vld [tilespmem:s31+$0x0]  }
.Ltmp2:
0xc5: {  	s6 =	sor.u32 s25, s5;
	v18 =	vld [tilespmem:s28+$0xFFFFFE00];
	(pc) =	sbr.rel @p0 .LBB2_7-.Ltmp2, $4  }
0xc6: {  	v16 =	vld [tilespmem:s6+$0x4000];
	v12 =	vadd.f32 v17, v12  }
0xc7: {  	s28 =	sadd.s32 $0x800, s28;
	v17 =	vld [tilespmem:s6+$0xC000];
	v23 =	vmul.f32 v20, v19  }
0xc8: {  	s8 =	sadd.s32 s5, s26;
	s31 =	sadd.s32 $0x800, s31;
	v19 =	vld [tilespmem:s28+$0x100]  }
0xc9: {  	s5 =	sadd.s32 $0x800, s5;
	s9 =	sor.u32 $0x280, s8;
	s6 =	sor.u32 $0x80, s8;
	v20 =	vld [tilespmem:s31+$0x100];
	v13 =	vadd.f32 v23, v13;
	v21 =	vmul.f32 v22, v21  }
0xca: {  	v22 =	vld [tilespmem:s9+$0x4000]  }
0xcb: {  	v23 =	vld [tilespmem:s9+$0xC000]  }
0xcc: {  	v24 =	vld [tilespmem:s6+$0x4000]  }
0xcd: {  	v25 =	vld [tilespmem:s6+$0xC000]  }
0xce: {  	v28 =	vld [tilespmem:s31+$0xFFFFFE00]  }
0xcf: {  	v29 =	vld [tilespmem:s28+$0xFFFFFF00]  }
0xd0: {  	v30 =	vld [tilespmem:s31+$0xFFFFFF00]  }
0xd1: {  	v31 =	vld [tilespmem:s28+$0x0]  }
0xd2: {  	v32 =	vld [tilespmem:s28+$0xFFFFFE00]  }
0xd3: {  	s5 =	sor.u32 $0x180, s8;
	v56 =	vld [tilespmem:s31+$0x0]  }
0xd4: {  	v26 =	vld [tilespmem:s5+$0x4000]  }
0xd5: {  	v14 =	vmul.f32 v14, v18;
	v27 =	vld [tilespmem:s5+$0xC000]  }
0xd6: {  	v8 =	vadd.f32 v21, v8;
	v16 =	vmul.f32 v17, v16  }
0xd7: {  	v14 =	vadd.f32 v14, v15;
	v58 =	vmul.f32 v20, v19;
	v57 =	vmul.f32 v23, v22  }
0xd8: {  	v9 =	vadd.f32 v16, v9;
	v59 =	vmul.f32 v25, v24;
	v61 =	vmul.f32 v30, v29  }
0xd9: {  	v62 =	vmul.f32 v28, v32;
	v63 =	vmul.f32 v56, v31;
	v7 =	vadd.f32 v58, v7  }
0xda: {  	v60 =	vmul.f32 v27, v26;
	v10 =	vadd.f32 v57, v10;
	v11 =	vadd.f32 v59, v11  }
0xdb: {  	v13 =	vadd.f32 v61, v13;
	v14 =	vadd.f32 v62, v14  }
0xdc: {  	v8 =	vadd.f32 v63, v8;
	v12 =	vadd.f32 v60, v12  }
0xdd: {  	v7 =	vadd.f32 v9, v7;
	v11 =	vadd.f32 v11, v14  }
0xde: {  	v8 =	vadd.f32 v10, v8;
	v12 =	vadd.f32 v12, v13;
	_ =	sdelay $0x1  }
0xdf: {  	v7 =	vadd.f32 v7, v8;
	v9 =	vadd.f32 v12, v11;
	_ =	sdelay $0x1  }
0xe0: {  	v7 =	vadd.f32 v7, v9;
	_ =	sdelay $0x1  }
0xe1: {  	v7 =	vmul.f32 $2.000000000e+01, v7;
	_ =	sdelay $0x1  }
0xe2: {  	v8 =	vand.u32 $0x7FFFFFFF, v7  }
0xe3: {  	v8 =	vsub.f32 $0.0e+00, v8;
	_ =	sdelay $0x1  }
0xe4: {  	v8 =	vmul.f32 $1.442695020e+00, v8;
	_ =	sdelay $0x1  }
0xe5: {  	(erf) = vpow2.f32 v8;
	_ =	sdelay $0x8  }
0xe6: {  	v8 =	vpop (erf)  }
0xe7: {  	v9 =	vadd.f32 $2.000000000e+00, v8;
	_ =	sdelay $0x1  }
0xe8: {  	(erf) = vrcp.f32 v9;
	_ =	sdelay $0x8  }
0xe9: {  	v9 =	vpop (erf)  }
0xea: {  	v8 =	vmul.f32 v9, v8;
	_ =	sdelay $0x1  }
0xeb: {  	v9 =	vmul.f32 v8, v8;
	_ =	sdelay $0x1  }
0xec: {  	v10 =	vmul.f32 $1.111111120e-01, v9;
	_ =	sdelay $0x1  }
0xed: {  	v10 =	vadd.f32 $1.428571490e-01, v10;
	_ =	sdelay $0x1  }
0xee: {  	v10 =	vmul.f32 v10, v9;
	_ =	sdelay $0x1  }
0xef: {  	v10 =	vadd.f32 $2.000000030e-01, v10;
	_ =	sdelay $0x1  }
0xf0: {  	v10 =	vmul.f32 v10, v9  }
0xf1: {  	v11 =	vld [tilespmem:s24+$0x10300]  }
0xf2: {  	v10 =	vadd.f32 $3.333333430e-01, v10;
	_ =	sdelay $0x1  }
0xf3: {  	v9 =	vmul.f32 v10, v9;
	_ =	sdelay $0x1  }
0xf4: {  	v11 =	vmul.f32 v11, v7;
	v8 =	vadd.f32 v8, v8;
	v10 =	vld [tilespmem:s24+$0x10100];
	v9 =	vadd.f32 $1.000000000e+00, v9  }
0xf5: {  	v7 =	vmax.f32 v7, $0.0e+00  }
0xf6: {  	s31 =	sor.u32 s7, s24;
	v7 =	vsub.f32 v7, v11;
	v8 =	vmul.f32 v9, v8  }
0xf7: {  	v9 =	vor.u32 s31, v1  }
0xf8: {  	vm0 =	vlt.s32 v9, v2;
	v7 =	vadd.f32 v7, v8  }
0xf9: {  	v8 =	vnsel vm0, $0x0, v10  }
0xfa: {  	v7 =	vmul.f32 v7, v8;
	_ =	sdelay $0x1  }
0xfb: {  	v3 =	vsub.f32 v8, v3;
	v4 =	vsub.f32 v7, v4;
	_ =	sdelay $0x1  }
0xfc: {  	s23 =	sadd.s32 $0x1, s23;
	v8 =	vadd.f32 v3, v5;
	v7 =	vadd.f32 v4, v6  }
0xfd: {  	p0 =	sne.s32 s23, $0x10  }
.Ltmp3:
0xfe: {  	v5 =	vsub.f32 v8, v5;
	v6 =	vsub.f32 v7, v6;
	(pc) =	sbr.rel @p0 .LBB2_6-.Ltmp3, $2  }
0xff: {  	_ =	sdelay $0x2  }
0x100: {  	s22 =	sadd.s32 $0x10, s22;
	s16 =	sadd.s32 $0x80, s16;
	s1 =	sadd.s32 $0x1, s1;
	v3 =	vsub.f32 v5, v3;
	v5 =	vmovc v8;
	v4 =	vsub.f32 v6, v4;
	v6 =	vmov v7  }
0x101: {  	s2 =	sadd.s32 $0x1, s2  }
0x102: {  	[tilespmem:$0x10480] =	vst v7;
	p0 =	sne.s32 s2, s15  }
.Ltmp4:
0x103: {  	[tilespmem:$0x10490] =	vst v8;
	s0 =	simm.s32 $0x10480;
	(pc) =	sbr.rel @p0 .LBB2_1-.Ltmp4, $4  }
0x104: {  	[hbm4b:s14+s3] =	stream.linear.scatter [tilespmem:s0], [sflag:$0x3], $0x20, $0x38;
	[tilespmem:$0x10500] =	vst v63  }
0x105: {  	_ =	swait.ge [sflag:s17], $0x20  }
0x106: {  	[sflag:s17] =	ssyncset.done $0x0  }
0x107: {  	[sflag:s17] =	ssyncadd.s32 $0xFFFFFFE0  }
0x108: {  	_ =	sfence.sel $0x180000  }
0x109: {  	[bflag:$0x0] =	sbarrier.arrive $0xFFFF  }
0x10a: {  	_ =	strace $0x90000047  }
0x10b: {  	s0 =	stileid.u32;
	[bflag:$0x2] =	sbarrier.arrive $0xFFFF  }
0x10c: {  	p0 =	sne.s32 s0, $0x0;
	s0 =	rddreg [dreg:$0x6]  }
0x10d: {  	s0 =	sadd.s32 @!p0 $0x100000, s0  }
0x10e: {  	[sflag:s0] =	ssyncadd.tile.s32 @!p0 $0x1;
	_ =	shalt  }
.Lfunc_end2:
_tile_overlayer_lowered:
.L_overlay_start_2:
0x10f: {  	(tag) =	ssettag $0x2  }
0x110: {  	s0 =	rddreg [dreg:$0x0];
	s2 =	stileid.u32  }
0x111: {  	s1 =	rddreg [dreg:$0x1];
	p0 =	sne.s32 s2, $0x0  }
0x112: {  	s3 =	rddreg [dreg:$0x2];
	[bflag:$0x3] =	sbarrier.arrive $0xFFFF;
	s2 =	simm.s32 @!p0 $0x1C03  }
0x113: {  	[timem:s3], [sflag:s2] =	dma.local @!p0 [hbm:s0], s1  }
0x114: {  	s0 =	simm.s32 @!p0 $0x3  }
0x115: {  	_ =	swait.ge @!p0 [sflag:s0], s1  }
0x116: {  	s1 =	ssub.s32 @!p0 $0x0, s1;
	[sflag:s0] =	ssyncset.done @!p0 $0x0  }
0x117: {  	[sflag:s0] =	ssyncadd.s32 @!p0 s1  }
0x118: {  	[bflag:$0x3] =	sbarrier.arrive $0xFFFF  }
0x119: {  	_ =	shalt  }

</sc_bundles>
